<compile_context>
chip_gen: v7x
topology: tpu7x:2x2x1
jax: 0.10.2.dev20260603
libtpu: 0.0.44.dev20260713+nightly
codegen_flags: <defaults>
</compile_context>

<pallas_src>
import functools

import jax
import jax.numpy as jnp
from jax import lax
from jax.experimental import pallas as pl
from jax.experimental.pallas import tpu as pltpu
from jax.experimental.pallas import tpu_sc as plsc

NN = 10000
DIM = 128
EDGES = 320000
NTILE = 16
EPT = 20000
CH = 80
NCHUNK = EPT // CH
NBUF = 2
HALF = 5120
ACCR = HALF + 128
RPTZ = ACCR // 16
RPTO = HALF // 16
PADDST = 2 * HALF


def _pre_body(x_ref, w_ref, b_ref, sgn_ref, src_ref, attr_ref,
              tbl_ref, idx_ref):
    lin = lax.dot_general(
        x_ref[...], w_ref[...],
        dimension_numbers=(((1,), (1,)), ((), ())),
        preferred_element_type=jnp.float32,
    )
    tbl_ref[...] = sgn_ref[0] * (lin + b_ref[...])
    idx_ref[...] = src_ref[...] + attr_ref[...] * NN


def _build_pre(x, W_w, b_row, sgn_b, src2, attr2):
    bn = 2000
    nb = NN // bn
    erows = src2.shape[0] // (2 * nb)
    return pl.pallas_call(
        _pre_body,
        grid=(2, nb),
        in_specs=[
            pl.BlockSpec((bn, DIM), lambda a, j: (j, 0)),
            pl.BlockSpec((DIM, DIM), lambda a, j: (0, 0)),
            pl.BlockSpec((1, DIM), lambda a, j: (0, 0)),
            pl.BlockSpec((1, 1, DIM), lambda a, j: (a, 0, 0)),
            pl.BlockSpec((erows, 800), lambda a, j: (a * nb + j, 0)),
            pl.BlockSpec((erows, 800), lambda a, j: (a * nb + j, 0)),
        ],
        out_specs=[
            pl.BlockSpec((bn, DIM), lambda a, j: (a * nb + j, 0)),
            pl.BlockSpec((erows, 800), lambda a, j: (a * nb + j, 0)),
        ],
        out_shape=[
            jax.ShapeDtypeStruct((2 * NN, DIM), jnp.float32),
            jax.ShapeDtypeStruct(src2.shape, jnp.int32),
        ],
    )(x, W_w, b_row, sgn_b, src2, attr2)


_mesh = plsc.VectorSubcoreMesh(core_axis_name="c", subcore_axis_name="s")


@functools.partial(
    pl.kernel,
    out_type=jax.ShapeDtypeStruct((2, HALF, DIM), jnp.float32),
    mesh=_mesh,
    scratch_types=[
        pltpu.VMEM((NCHUNK, CH), jnp.int32),
        pltpu.VMEM((NCHUNK, CH), jnp.int32),
        [pltpu.VMEM((CH, DIM), jnp.float32)] * NBUF,
        [pltpu.SemaphoreType.DMA] * NBUF,
        pltpu.VMEM_SHARED((ACCR, DIM), jnp.float32),
    ],
)
def _sc_scatter(tbl_hbm, gidx_hbm, dst_hbm, zeros_hbm, out_hbm,
                gidx_v, dst_v, rows, gsems, acc_sh):
    c = lax.axis_index("c")
    s = lax.axis_index("s")

    pltpu.sync_copy(zeros_hbm.at[pl.ds(s * RPTZ, RPTZ)],
                    acc_sh.at[pl.ds(s * RPTZ, RPTZ)])
    pltpu.sync_copy(gidx_hbm.at[s], gidx_v)
    pltpu.sync_copy(dst_hbm.at[s], dst_v)

    base = c * HALF

    def remap(j):
        for o in range(CH // 16):
            d = dst_v[j, pl.ds(o * 16, 16)] - base
            in_range = (d >= 0) & (d < HALF)
            dst_v[j, pl.ds(o * 16, 16)] = jnp.where(
                in_range, d, HALF + (d & 127))

    plsc.subcore_barrier()

    def fire(j, k):
        pltpu.make_async_copy(tbl_hbm.at[gidx_v.at[j]], rows[k],
                              gsems[k]).start()

    def drain(j, k):
        pltpu.make_async_copy(tbl_hbm.at[gidx_v.at[j]], rows[k],
                              gsems[k]).wait()
        pltpu.sync_copy(rows[k], acc_sh.at[dst_v.at[j]], add=True)

    for k in range(NBUF - 1):
        fire(k, k)
        remap(k)

    def ring_body(i, carry):
        for k in range(NBUF):
            j = NBUF * i + k

            @pl.when(j + NBUF - 1 < NCHUNK)
            def _():
                fire(j + NBUF - 1, (k + NBUF - 1) % NBUF)
                remap(j + NBUF - 1)

            drain(j, k)
        return carry

    lax.fori_loop(0, NCHUNK // NBUF, ring_body, 0)
    plsc.subcore_barrier()
    pltpu.sync_copy(acc_sh.at[pl.ds(s * RPTO, RPTO)],
                    out_hbm.at[c, pl.ds(s * RPTO, RPTO)])


def _fin_body(sp_ref, x_ref, out_ref):
    out_ref[...] = x_ref[...] + jnp.maximum(sp_ref[...], 0.0)


def _finalize(s_cat, x):
    bn = 2000
    return pl.pallas_call(
        _fin_body,
        grid=(NN // bn,),
        in_specs=[
            pl.BlockSpec((bn, DIM), lambda j: (j, 0)),
            pl.BlockSpec((bn, DIM), lambda j: (j, 0)),
        ],
        out_specs=pl.BlockSpec((bn, DIM), lambda j: (j, 0)),
        out_shape=jax.ShapeDtypeStruct((NN, DIM), jnp.float32),
    )(s_cat, x)


def kernel(x, edge_index, edge_attr, W_w, W_b, sign_emb):
    src2 = edge_index[0].reshape(400, 800)
    attr2 = edge_attr.reshape(400, 800).astype(jnp.int32)
    dst_p = edge_index[1]
    sgn_b = jnp.broadcast_to(sign_emb[:, None, :], (2, 1, DIM))
    b_row = W_b.reshape(1, DIM)
    zeros = jnp.zeros((ACCR, DIM), jnp.float32)

    tbl, gidx = _build_pre(x, W_w, b_row, sgn_b, src2, attr2)
    gidx = gidx.reshape(NTILE, NCHUNK, CH)
    dst_r = dst_p.reshape(NTILE, NCHUNK, CH)

    s_part = _sc_scatter(tbl, gidx, dst_r, zeros)
    s_cat = s_part.reshape(2 * HALF, DIM)
    return _finalize(s_cat, x)

# --- scband reference (transcript-rebuilt; emitter-appended) ---
"""Pipeline reference for scband-csih-6339371728953 (READ-ONLY COPY).

The authoritative reference and input builder live on the scoring server;
editing this copy changes nothing except your own understanding.
"""

import jax, jax.numpy as jnp
import numpy as np

N = 10000
E = 320000
DIM = 128

def setup_inputs(seed: int = 0) -> dict:
    key = jax.random.key(seed)
    k1, k2, k3, k4, k5, k6 = jax.random.split(key, 6)
    x = jax.random.normal(k1, (N, DIM), dtype=jnp.float32)
    edge_index = jax.random.randint(k2, (2, E), 0, N, dtype=jnp.int32)
    edge_attr = jax.random.randint(k3, (E,), 0, 2, dtype=jnp.int32)
    # Learned parameters of SignEnhancedMessagePassing (dim=128)
    lim = float(np.sqrt(6.0 / (DIM + DIM)))
    W_w = jax.random.uniform(k4, (DIM, DIM), dtype=jnp.float32, minval=-lim, maxval=lim)
    W_b = jnp.zeros((DIM,), dtype=jnp.float32)
    sign_emb = jax.random.normal(k5, (2, 1), dtype=jnp.float32)
    return {"x": x, "edge_index": edge_index, "edge_attr": edge_attr, "W_w": W_w, "W_b": W_b, "sign_emb": sign_emb}

def reference(x, edge_index, edge_attr, W_w, W_b, sign_emb):
    # PyG MessagePassing(aggr='add'), flow source_to_target:
    # x_j = x[edge_index[0]] (source), aggregate at edge_index[1] (destination)
    src = edge_index[0]
    dst = edge_index[1]
    x_j = jnp.take(x, src, axis=0)                     # gather: [E, DIM]
    lin = x_j @ W_w.T + W_b                            # self.W(x_j)
    sign_w = jnp.take(sign_emb, edge_attr, axis=0).reshape(-1, 1)  # sign_emb(edge_attr).view(-1,1)
    msg = sign_w * lin                                 # message()
    aggr = jax.ops.segment_sum(msg, dst, num_segments=x.shape[0])  # scatter-add aggregation
    return x + jax.nn.relu(aggr)                       # update()

if __name__ == "__main__":
    import jax
    _d = setup_inputs()
    print(jax.jit(kernel)(*tuple(_d.values())))

</pallas_src>

<mosaic_0001>
#map = affine_map<(d0, d1) -> (0, 0)>
#map1 = affine_map<(d0, d1) -> (0, 0, 0)>
module attributes {stable_mosaic.version = 14 : i64} {
  func.func @_sc_scatter(%arg0: i32, %arg1: i32, %arg2: memref<20000x128xf32, #tpu.memory_space<hbm>>, %arg3: memref<16x250x80xi32, #tpu.memory_space<hbm>>, %arg4: memref<16x250x80xi32, #tpu.memory_space<hbm>>, %arg5: memref<5248x128xf32, #tpu.memory_space<hbm>>, %arg6: memref<2x5120x128xf32, #tpu.memory_space<hbm>>, %arg7: memref<250x80xi32, #tpu.memory_space<vmem>>, %arg8: memref<250x80xi32, #tpu.memory_space<vmem>>, %arg9: memref<80x128xf32, #tpu.memory_space<vmem>>, %arg10: memref<80x128xf32, #tpu.memory_space<vmem>>, %arg11: memref<!tpu.dma_semaphore, #tpu.memory_space<semaphore_mem>>, %arg12: memref<!tpu.dma_semaphore, #tpu.memory_space<semaphore_mem>>, %arg13: memref<5248x128xf32, #tpu.memory_space<vmem_shared>>) attributes {dimension_semantics = [#tpu.dimension_semantics<core_parallel>, #tpu.dimension_semantics<subcore_parallel>], iteration_bounds = array<i64: 2, 16>, scalar_prefetch = 0 : i64, scratch_operands = 7 : i64, tpu.core_type = #tpu.core_type<sc_vector_subcore>, window_params = [{transform_indices = #map}, {transform_indices = #map1}, {transform_indices = #map1}, {transform_indices = #map}, {transform_indices = #map1}]} {
    %mul3A = arith.constant 328 : i32
    %mul3A_0 = arith.muli %arg1, %mul3A : i32
    %mul3A_1 = arith.constant 328 : i32
    %mul3A_2 = arith.muli %arg1, %mul3A_1 : i32
    "tpu.region"() ({
      %run_scoped3A = tpu.sem_alloc : memref<!tpu.dma_semaphore, #tpu.memory_space<semaphore_mem>>
      %dma_start3A_148 = arith.constant 0 : i32
      %dma_start3A_149 = tpu.memref_slice %arg13[%mul3A_2, %dma_start3A_148] : memref<5248x128xf32, #tpu.memory_space<vmem_shared>> -> memref<328x128xf32, #tpu.memory_space<vmem_shared>>
      %dma_start3A_150 = arith.constant 0 : i32
      %dma_start3A_151 = tpu.memref_slice %arg5[%mul3A_0, %dma_start3A_150] : memref<5248x128xf32, #tpu.memory_space<hbm>> -> memref<328x128xf32, #tpu.memory_space<hbm>>
      tpu.enqueue_dma source(%dma_start3A_151 : memref<328x128xf32, #tpu.memory_space<hbm>>) target(%dma_start3A_149 : memref<328x128xf32, #tpu.memory_space<vmem_shared>>) target_semaphore(%run_scoped3A : memref<!tpu.dma_semaphore, #tpu.memory_space<semaphore_mem>>)
      %dma_wait3A = arith.constant 0 : i32
      %dma_wait3A_152 = tpu.memref_slice %arg13[%mul3A_2, %dma_wait3A] : memref<5248x128xf32, #tpu.memory_space<vmem_shared>> -> memref<328x128xf32, #tpu.memory_space<vmem_shared>>
      %dma_wait3A_153 = arith.constant 0 : i32
      %dma_wait3A_154 = tpu.memref_slice %arg5[%mul3A_0, %dma_wait3A_153] : memref<5248x128xf32, #tpu.memory_space<hbm>> -> memref<328x128xf32, #tpu.memory_space<hbm>>
      tpu.wait_dma2 semaphore(%run_scoped3A : memref<!tpu.dma_semaphore, #tpu.memory_space<semaphore_mem>>) src(%dma_wait3A_154 : memref<328x128xf32, #tpu.memory_space<hbm>>) dst(%dma_wait3A_152 : memref<328x128xf32, #tpu.memory_space<vmem_shared>>)
      tpu.yield
    }) : () -> ()
    "tpu.region"() ({
      %run_scoped3A = tpu.sem_alloc : memref<!tpu.dma_semaphore, #tpu.memory_space<semaphore_mem>>
      %dma_start3A_148 = arith.constant 0 : i32
      %dma_start3A_149 = arith.constant 0 : i32
      %dma_start3A_150 = tpu.memref_slice %arg3[%arg1, %dma_start3A_148, %dma_start3A_149] : memref<16x250x80xi32, #tpu.memory_space<hbm>> -> memref<1x250x80xi32, #tpu.memory_space<hbm>>
      %dma_start3A_151 = tpu.memref_squeeze %dma_start3A_150 : memref<1x250x80xi32, #tpu.memory_space<hbm>> -> memref<250x80xi32, #tpu.memory_space<hbm>>
      %dma_start3A_152 = arith.constant 0 : i32
      %dma_start3A_153 = arith.constant 0 : i32
      %dma_start3A_154 = tpu.memref_slice %arg3[%arg1, %dma_start3A_152, %dma_start3A_153] : memref<16x250x80xi32, #tpu.memory_space<hbm>> -> memref<1x250x80xi32, #tpu.memory_space<hbm>>
      %dma_start3A_155 = tpu.memref_squeeze %dma_start3A_154 : memref<1x250x80xi32, #tpu.memory_space<hbm>> -> memref<250x80xi32, #tpu.memory_space<hbm>>
      tpu.enqueue_dma source(%dma_start3A_155 : memref<250x80xi32, #tpu.memory_space<hbm>>) target(%arg7 : memref<250x80xi32, #tpu.memory_space<vmem>>) target_semaphore(%run_scoped3A : memref<!tpu.dma_semaphore, #tpu.memory_space<semaphore_mem>>)
      %dma_wait3A = arith.constant 0 : i32
      %dma_wait3A_156 = arith.constant 0 : i32
      %dma_wait3A_157 = tpu.memref_slice %arg3[%arg1, %dma_wait3A, %dma_wait3A_156] : memref<16x250x80xi32, #tpu.memory_space<hbm>> -> memref<1x250x80xi32, #tpu.memory_space<hbm>>
      %dma_wait3A_158 = tpu.memref_squeeze %dma_wait3A_157 : memref<1x250x80xi32, #tpu.memory_space<hbm>> -> memref<250x80xi32, #tpu.memory_space<hbm>>
      %dma_wait3A_159 = arith.constant 0 : i32
      %dma_wait3A_160 = arith.constant 0 : i32
      %dma_wait3A_161 = tpu.memref_slice %arg3[%arg1, %dma_wait3A_159, %dma_wait3A_160] : memref<16x250x80xi32, #tpu.memory_space<hbm>> -> memref<1x250x80xi32, #tpu.memory_space<hbm>>
      %dma_wait3A_162 = tpu.memref_squeeze %dma_wait3A_161 : memref<1x250x80xi32, #tpu.memory_space<hbm>> -> memref<250x80xi32, #tpu.memory_space<hbm>>
      tpu.wait_dma2 semaphore(%run_scoped3A : memref<!tpu.dma_semaphore, #tpu.memory_space<semaphore_mem>>) src(%dma_wait3A_162 : memref<250x80xi32, #tpu.memory_space<hbm>>) dst(%arg7 : memref<250x80xi32, #tpu.memory_space<vmem>>)
      tpu.yield
    }) : () -> ()
    "tpu.region"() ({
      %run_scoped3A = tpu.sem_alloc : memref<!tpu.dma_semaphore, #tpu.memory_space<semaphore_mem>>
      %dma_start3A_148 = arith.constant 0 : i32
      %dma_start3A_149 = arith.constant 0 : i32
      %dma_start3A_150 = tpu.memref_slice %arg4[%arg1, %dma_start3A_148, %dma_start3A_149] : memref<16x250x80xi32, #tpu.memory_space<hbm>> -> memref<1x250x80xi32, #tpu.memory_space<hbm>>
      %dma_start3A_151 = tpu.memref_squeeze %dma_start3A_150 : memref<1x250x80xi32, #tpu.memory_space<hbm>> -> memref<250x80xi32, #tpu.memory_space<hbm>>
      %dma_start3A_152 = arith.constant 0 : i32
      %dma_start3A_153 = arith.constant 0 : i32
      %dma_start3A_154 = tpu.memref_slice %arg4[%arg1, %dma_start3A_152, %dma_start3A_153] : memref<16x250x80xi32, #tpu.memory_space<hbm>> -> memref<1x250x80xi32, #tpu.memory_space<hbm>>
      %dma_start3A_155 = tpu.memref_squeeze %dma_start3A_154 : memref<1x250x80xi32, #tpu.memory_space<hbm>> -> memref<250x80xi32, #tpu.memory_space<hbm>>
      tpu.enqueue_dma source(%dma_start3A_155 : memref<250x80xi32, #tpu.memory_space<hbm>>) target(%arg8 : memref<250x80xi32, #tpu.memory_space<vmem>>) target_semaphore(%run_scoped3A : memref<!tpu.dma_semaphore, #tpu.memory_space<semaphore_mem>>)
      %dma_wait3A = arith.constant 0 : i32
      %dma_wait3A_156 = arith.constant 0 : i32
      %dma_wait3A_157 = tpu.memref_slice %arg4[%arg1, %dma_wait3A, %dma_wait3A_156] : memref<16x250x80xi32, #tpu.memory_space<hbm>> -> memref<1x250x80xi32, #tpu.memory_space<hbm>>
      %dma_wait3A_158 = tpu.memref_squeeze %dma_wait3A_157 : memref<1x250x80xi32, #tpu.memory_space<hbm>> -> memref<250x80xi32, #tpu.memory_space<hbm>>
      %dma_wait3A_159 = arith.constant 0 : i32
      %dma_wait3A_160 = arith.constant 0 : i32
      %dma_wait3A_161 = tpu.memref_slice %arg4[%arg1, %dma_wait3A_159, %dma_wait3A_160] : memref<16x250x80xi32, #tpu.memory_space<hbm>> -> memref<1x250x80xi32, #tpu.memory_space<hbm>>
      %dma_wait3A_162 = tpu.memref_squeeze %dma_wait3A_161 : memref<1x250x80xi32, #tpu.memory_space<hbm>> -> memref<250x80xi32, #tpu.memory_space<hbm>>
      tpu.wait_dma2 semaphore(%run_scoped3A : memref<!tpu.dma_semaphore, #tpu.memory_space<semaphore_mem>>) src(%dma_wait3A_162 : memref<250x80xi32, #tpu.memory_space<hbm>>) dst(%arg8 : memref<250x80xi32, #tpu.memory_space<vmem>>)
      tpu.yield
    }) : () -> ()
    %mul3A_3 = arith.constant 5120 : i32
    %mul3A_4 = arith.muli %arg0, %mul3A_3 : i32
    %barrier3A = arith.constant 0 : index
    tpu.barrier barrier_id(%barrier3A)
    %dma_start3A = arith.constant 0 : i32
    %dma_start3A_5 = arith.constant 0 : i32
    %dma_start3A_6 = tpu.memref_slice %arg7[%dma_start3A, %dma_start3A_5] : memref<250x80xi32, #tpu.memory_space<vmem>> -> memref<1x80xi32, #tpu.memory_space<vmem>>
    %dma_start3A_7 = tpu.memref_squeeze %dma_start3A_6 : memref<1x80xi32, #tpu.memory_space<vmem>> -> memref<80xi32, #tpu.memory_space<vmem>>
    %dma_start3A_8 = arith.constant 0 : i32
    %dma_start3A_9 = arith.constant 0 : i32
    %dma_start3A_10 = tpu.memref_slice %arg2[%dma_start3A_8, %dma_start3A_9] : memref<20000x128xf32, #tpu.memory_space<hbm>> -> memref<20000x128xf32, #tpu.memory_space<hbm>>
    tpu.enqueue_indirect_dma source(%dma_start3A_10 : memref<20000x128xf32, #tpu.memory_space<hbm>>) target(%arg9 : memref<80x128xf32, #tpu.memory_space<vmem>>) offsets(%dma_start3A_7 : memref<80xi32, #tpu.memory_space<vmem>>) semaphore(%arg11 : memref<!tpu.dma_semaphore, #tpu.memory_space<semaphore_mem>>)
    %get3A = arith.constant 0 : i32
    %get3A_11 = arith.index_cast %get3A : i32 to index
    %get3A_12 = arith.constant 0 : index
    %get3A_13 = tpu.vector_load %arg8[%get3A_11, %get3A_12] {strides = array<i32>} : memref<250x80xi32, #tpu.memory_space<vmem>>, vector<1x16xi32>,
    %get3A_14 = vector.shape_cast %get3A_13 : vector<1x16xi32> to vector<16xi32>
    %sub3A = vector.broadcast %mul3A_4 : i32 to vector<16xi32>
    %sub3A_15 = arith.subi %get3A_14, %sub3A : vector<16xi32>
    %ge3A = arith.constant 0 : i32
    %ge3A_16 = vector.broadcast %ge3A : i32 to vector<16xi32>
    %ge3A_17 = arith.cmpi sge, %sub3A_15, %ge3A_16 : vector<16xi32>
    %lt3A = arith.constant 5120 : i32
    %lt3A_18 = vector.broadcast %lt3A : i32 to vector<16xi32>
    %lt3A_19 = arith.cmpi slt, %sub3A_15, %lt3A_18 : vector<16xi32>
    %and3A = arith.andi %ge3A_17, %lt3A_19 : vector<16xi1>
    %and3A_20 = arith.constant 127 : i32
    %and3A_21 = vector.broadcast %and3A_20 : i32 to vector<16xi32>
    %and3A_22 = arith.andi %sub3A_15, %and3A_21 : vector<16xi32>
    %add3A = arith.constant 5120 : i32
    %add3A_23 = vector.broadcast %add3A : i32 to vector<16xi32>
    %add3A_24 = arith.addi %add3A_23, %and3A_22 : vector<16xi32>
    %select_n3A = arith.select %and3A, %sub3A_15, %add3A_24 : vector<16xi1>, vector<16xi32>
    %swap3A = arith.constant 0 : i32
    %swap3A_25 = arith.index_cast %swap3A : i32 to index
    %swap3A_26 = arith.constant 0 : index
    %swap3A_27 = tpu.vector_load %arg8[%swap3A_25, %swap3A_26] {strides = array<i32>} : memref<250x80xi32, #tpu.memory_space<vmem>>, vector<1x16xi32>,
    %swap3A_28 = vector.shape_cast %swap3A_27 : vector<1x16xi32> to vector<16xi32>
    %swap3A_29 = vector.shape_cast %select_n3A : vector<16xi32> to vector<1x16xi32>
    tpu.vector_store %arg8[%swap3A_25, %swap3A_26], %swap3A_29 {strides = array<i32>} : memref<250x80xi32, #tpu.memory_space<vmem>>, vector<1x16xi32>,
    %get3A_30 = arith.constant 0 : i32
    %get3A_31 = arith.index_cast %get3A_30 : i32 to index
    %get3A_32 = arith.constant 16 : index
    %get3A_33 = tpu.vector_load %arg8[%get3A_31, %get3A_32] {strides = array<i32>} : memref<250x80xi32, #tpu.memory_space<vmem>>, vector<1x16xi32>,
    %get3A_34 = vector.shape_cast %get3A_33 : vector<1x16xi32> to vector<16xi32>
    %sub3A_35 = vector.broadcast %mul3A_4 : i32 to vector<16xi32>
    %sub3A_36 = arith.subi %get3A_34, %sub3A_35 : vector<16xi32>
    %ge3A_37 = arith.constant 0 : i32
    %ge3A_38 = vector.broadcast %ge3A_37 : i32 to vector<16xi32>
    %ge3A_39 = arith.cmpi sge, %sub3A_36, %ge3A_38 : vector<16xi32>
    %lt3A_40 = arith.constant 5120 : i32
    %lt3A_41 = vector.broadcast %lt3A_40 : i32 to vector<16xi32>
    %lt3A_42 = arith.cmpi slt, %sub3A_36, %lt3A_41 : vector<16xi32>
    %and3A_43 = arith.andi %ge3A_39, %lt3A_42 : vector<16xi1>
    %and3A_44 = arith.constant 127 : i32
    %and3A_45 = vector.broadcast %and3A_44 : i32 to vector<16xi32>
    %and3A_46 = arith.andi %sub3A_36, %and3A_45 : vector<16xi32>
    %add3A_47 = arith.constant 5120 : i32
    %add3A_48 = vector.broadcast %add3A_47 : i32 to vector<16xi32>
    %add3A_49 = arith.addi %add3A_48, %and3A_46 : vector<16xi32>
    %select_n3A_50 = arith.select %and3A_43, %sub3A_36, %add3A_49 : vector<16xi1>, vector<16xi32>
    %swap3A_51 = arith.constant 0 : i32
    %swap3A_52 = arith.index_cast %swap3A_51 : i32 to index
    %swap3A_53 = arith.constant 16 : index
    %swap3A_54 = tpu.vector_load %arg8[%swap3A_52, %swap3A_53] {strides = array<i32>} : memref<250x80xi32, #tpu.memory_space<vmem>>, vector<1x16xi32>,
    %swap3A_55 = vector.shape_cast %swap3A_54 : vector<1x16xi32> to vector<16xi32>
    %swap3A_56 = vector.shape_cast %select_n3A_50 : vector<16xi32> to vector<1x16xi32>
    tpu.vector_store %arg8[%swap3A_52, %swap3A_53], %swap3A_56 {strides = array<i32>} : memref<250x80xi32, #tpu.memory_space<vmem>>, vector<1x16xi32>,
    %get3A_57 = arith.constant 0 : i32
    %get3A_58 = arith.index_cast %get3A_57 : i32 to index
    %get3A_59 = arith.constant 32 : index
    %get3A_60 = tpu.vector_load %arg8[%get3A_58, %get3A_59] {strides = array<i32>} : memref<250x80xi32, #tpu.memory_space<vmem>>, vector<1x16xi32>,
    %get3A_61 = vector.shape_cast %get3A_60 : vector<1x16xi32> to vector<16xi32>
    %sub3A_62 = vector.broadcast %mul3A_4 : i32 to vector<16xi32>
    %sub3A_63 = arith.subi %get3A_61, %sub3A_62 : vector<16xi32>
    %ge3A_64 = arith.constant 0 : i32
    %ge3A_65 = vector.broadcast %ge3A_64 : i32 to vector<16xi32>
    %ge3A_66 = arith.cmpi sge, %sub3A_63, %ge3A_65 : vector<16xi32>
    %lt3A_67 = arith.constant 5120 : i32
    %lt3A_68 = vector.broadcast %lt3A_67 : i32 to vector<16xi32>
    %lt3A_69 = arith.cmpi slt, %sub3A_63, %lt3A_68 : vector<16xi32>
    %and3A_70 = arith.andi %ge3A_66, %lt3A_69 : vector<16xi1>
    %and3A_71 = arith.constant 127 : i32
    %and3A_72 = vector.broadcast %and3A_71 : i32 to vector<16xi32>
    %and3A_73 = arith.andi %sub3A_63, %and3A_72 : vector<16xi32>
    %add3A_74 = arith.constant 5120 : i32
    %add3A_75 = vector.broadcast %add3A_74 : i32 to vector<16xi32>
    %add3A_76 = arith.addi %add3A_75, %and3A_73 : vector<16xi32>
    %select_n3A_77 = arith.select %and3A_70, %sub3A_63, %add3A_76 : vector<16xi1>, vector<16xi32>
    %swap3A_78 = arith.constant 0 : i32
    %swap3A_79 = arith.index_cast %swap3A_78 : i32 to index
    %swap3A_80 = arith.constant 32 : index
    %swap3A_81 = tpu.vector_load %arg8[%swap3A_79, %swap3A_80] {strides = array<i32>} : memref<250x80xi32, #tpu.memory_space<vmem>>, vector<1x16xi32>,
    %swap3A_82 = vector.shape_cast %swap3A_81 : vector<1x16xi32> to vector<16xi32>
    %swap3A_83 = vector.shape_cast %select_n3A_77 : vector<16xi32> to vector<1x16xi32>
    tpu.vector_store %arg8[%swap3A_79, %swap3A_80], %swap3A_83 {strides = array<i32>} : memref<250x80xi32, #tpu.memory_space<vmem>>, vector<1x16xi32>,
    %get3A_84 = arith.constant 0 : i32
    %get3A_85 = arith.index_cast %get3A_84 : i32 to index
    %get3A_86 = arith.constant 48 : index
    %get3A_87 = tpu.vector_load %arg8[%get3A_85, %get3A_86] {strides = array<i32>} : memref<250x80xi32, #tpu.memory_space<vmem>>, vector<1x16xi32>,
    %get3A_88 = vector.shape_cast %get3A_87 : vector<1x16xi32> to vector<16xi32>
    %sub3A_89 = vector.broadcast %mul3A_4 : i32 to vector<16xi32>
    %sub3A_90 = arith.subi %get3A_88, %sub3A_89 : vector<16xi32>
    %ge3A_91 = arith.constant 0 : i32
    %ge3A_92 = vector.broadcast %ge3A_91 : i32 to vector<16xi32>
    %ge3A_93 = arith.cmpi sge, %sub3A_90, %ge3A_92 : vector<16xi32>
    %lt3A_94 = arith.constant 5120 : i32
    %lt3A_95 = vector.broadcast %lt3A_94 : i32 to vector<16xi32>
    %lt3A_96 = arith.cmpi slt, %sub3A_90, %lt3A_95 : vector<16xi32>
    %and3A_97 = arith.andi %ge3A_93, %lt3A_96 : vector<16xi1>
    %and3A_98 = arith.constant 127 : i32
    %and3A_99 = vector.broadcast %and3A_98 : i32 to vector<16xi32>
    %and3A_100 = arith.andi %sub3A_90, %and3A_99 : vector<16xi32>
    %add3A_101 = arith.constant 5120 : i32
    %add3A_102 = vector.broadcast %add3A_101 : i32 to vector<16xi32>
    %add3A_103 = arith.addi %add3A_102, %and3A_100 : vector<16xi32>
    %select_n3A_104 = arith.select %and3A_97, %sub3A_90, %add3A_103 : vector<16xi1>, vector<16xi32>
    %swap3A_105 = arith.constant 0 : i32
    %swap3A_106 = arith.index_cast %swap3A_105 : i32 to index
    %swap3A_107 = arith.constant 48 : index
    %swap3A_108 = tpu.vector_load %arg8[%swap3A_106, %swap3A_107] {strides = array<i32>} : memref<250x80xi32, #tpu.memory_space<vmem>>, vector<1x16xi32>,
    %swap3A_109 = vector.shape_cast %swap3A_108 : vector<1x16xi32> to vector<16xi32>
    %swap3A_110 = vector.shape_cast %select_n3A_104 : vector<16xi32> to vector<1x16xi32>
    tpu.vector_store %arg8[%swap3A_106, %swap3A_107], %swap3A_110 {strides = array<i32>} : memref<250x80xi32, #tpu.memory_space<vmem>>, vector<1x16xi32>,
    %get3A_111 = arith.constant 0 : i32
    %get3A_112 = arith.index_cast %get3A_111 : i32 to index
    %get3A_113 = arith.constant 64 : index
    %get3A_114 = tpu.vector_load %arg8[%get3A_112, %get3A_113] {strides = array<i32>} : memref<250x80xi32, #tpu.memory_space<vmem>>, vector<1x16xi32>,
    %get3A_115 = vector.shape_cast %get3A_114 : vector<1x16xi32> to vector<16xi32>
    %sub3A_116 = vector.broadcast %mul3A_4 : i32 to vector<16xi32>
    %sub3A_117 = arith.subi %get3A_115, %sub3A_116 : vector<16xi32>
    %ge3A_118 = arith.constant 0 : i32
    %ge3A_119 = vector.broadcast %ge3A_118 : i32 to vector<16xi32>
    %ge3A_120 = arith.cmpi sge, %sub3A_117, %ge3A_119 : vector<16xi32>
    %lt3A_121 = arith.constant 5120 : i32
    %lt3A_122 = vector.broadcast %lt3A_121 : i32 to vector<16xi32>
    %lt3A_123 = arith.cmpi slt, %sub3A_117, %lt3A_122 : vector<16xi32>
    %and3A_124 = arith.andi %ge3A_120, %lt3A_123 : vector<16xi1>
    %and3A_125 = arith.constant 127 : i32
    %and3A_126 = vector.broadcast %and3A_125 : i32 to vector<16xi32>
    %and3A_127 = arith.andi %sub3A_117, %and3A_126 : vector<16xi32>
    %add3A_128 = arith.constant 5120 : i32
    %add3A_129 = vector.broadcast %add3A_128 : i32 to vector<16xi32>
    %add3A_130 = arith.addi %add3A_129, %and3A_127 : vector<16xi32>
    %select_n3A_131 = arith.select %and3A_124, %sub3A_117, %add3A_130 : vector<16xi1>, vector<16xi32>
    %swap3A_132 = arith.constant 0 : i32
    %swap3A_133 = arith.index_cast %swap3A_132 : i32 to index
    %swap3A_134 = arith.constant 64 : index
    %swap3A_135 = tpu.vector_load %arg8[%swap3A_133, %swap3A_134] {strides = array<i32>} : memref<250x80xi32, #tpu.memory_space<vmem>>, vector<1x16xi32>,
    %swap3A_136 = vector.shape_cast %swap3A_135 : vector<1x16xi32> to vector<16xi32>
    %swap3A_137 = vector.shape_cast %select_n3A_131 : vector<16xi32> to vector<1x16xi32>
    tpu.vector_store %arg8[%swap3A_133, %swap3A_134], %swap3A_137 {strides = array<i32>} : memref<250x80xi32, #tpu.memory_space<vmem>>, vector<1x16xi32>,
    %scan3A = arith.constant 0 : i32
    %scan3A_138 = arith.constant 0 : i32
    %scan3A_139 = arith.constant 125 : i32
    %scan3A_140 = arith.addi %scan3A_138, %scan3A_139 : i32
    %scan3A_141 = arith.constant 1 : i32
    scf.for %scan3A_148 = %scan3A_138 to %scan3A_140 step %scan3A_141  : i32 {
      %mul3A_149 = arith.constant 2 : i32
      %mul3A_150 = arith.muli %mul3A_149, %scan3A_148 : i32
      %add3A_151 = arith.constant 0 : i32
      %add3A_152 = arith.addi %mul3A_150, %add3A_151 : i32
      %add3A_153 = arith.constant 2 : i32
      %add3A_154 = arith.addi %add3A_152, %add3A_153 : i32
      %sub3A_155 = arith.constant 1 : i32
      %sub3A_156 = arith.subi %add3A_154, %sub3A_155 : i32
      %lt3A_157 = arith.constant 250 : i32
      %lt3A_158 = arith.cmpi slt, %sub3A_156, %lt3A_157 : i32
      %convert_element_type3A = arith.extui %lt3A_158 : i1 to i32
      %cond3A = arith.constant 0 : i32
      %cond3A_159 = arith.cmpi ne, %convert_element_type3A, %cond3A : i32
      scf.if %cond3A_159 {
        %add3A_184 = arith.constant 2 : i32
        %add3A_185 = arith.addi %add3A_152, %add3A_184 : i32
        %sub3A_186 = arith.constant 1 : i32
        %sub3A_187 = arith.subi %add3A_185, %sub3A_186 : i32
        %dma_start3A_188 = arith.constant 0 : i32
        %dma_start3A_189 = tpu.memref_slice %arg7[%sub3A_187, %dma_start3A_188] : memref<250x80xi32, #tpu.memory_space<vmem>> -> memref<1x80xi32, #tpu.memory_space<vmem>>
        %dma_start3A_190 = tpu.memref_squeeze %dma_start3A_189 : memref<1x80xi32, #tpu.memory_space<vmem>> -> memref<80xi32, #tpu.memory_space<vmem>>
        %dma_start3A_191 = arith.constant 0 : i32
        %dma_start3A_192 = arith.constant 0 : i32
        %dma_start3A_193 = tpu.memref_slice %arg2[%dma_start3A_191, %dma_start3A_192] : memref<20000x128xf32, #tpu.memory_space<hbm>> -> memref<20000x128xf32, #tpu.memory_space<hbm>>
        tpu.enqueue_indirect_dma source(%dma_start3A_193 : memref<20000x128xf32, #tpu.memory_space<hbm>>) target(%arg10 : memref<80x128xf32, #tpu.memory_space<vmem>>) offsets(%dma_start3A_190 : memref<80xi32, #tpu.memory_space<vmem>>) semaphore(%arg12 : memref<!tpu.dma_semaphore, #tpu.memory_space<semaphore_mem>>)
        %add3A_194 = arith.constant 2 : i32
        %add3A_195 = arith.addi %add3A_152, %add3A_194 : i32
        %sub3A_196 = arith.constant 1 : i32
        %sub3A_197 = arith.subi %add3A_195, %sub3A_196 : i32
        %get3A_198 = arith.index_cast %sub3A_197 : i32 to index
        %get3A_199 = arith.constant 0 : index
        %get3A_200 = tpu.vector_load %arg8[%get3A_198, %get3A_199] {strides = array<i32>} : memref<250x80xi32, #tpu.memory_space<vmem>>, vector<1x16xi32>,
        %get3A_201 = vector.shape_cast %get3A_200 : vector<1x16xi32> to vector<16xi32>
        %sub3A_202 = vector.broadcast %mul3A_4 : i32 to vector<16xi32>
        %sub3A_203 = arith.subi %get3A_201, %sub3A_202 : vector<16xi32>
        %ge3A_204 = arith.constant 0 : i32
        %ge3A_205 = vector.broadcast %ge3A_204 : i32 to vector<16xi32>
        %ge3A_206 = arith.cmpi sge, %sub3A_203, %ge3A_205 : vector<16xi32>
        %lt3A_207 = arith.constant 5120 : i32
        %lt3A_208 = vector.broadcast %lt3A_207 : i32 to vector<16xi32>
        %lt3A_209 = arith.cmpi slt, %sub3A_203, %lt3A_208 : vector<16xi32>
        %and3A_210 = arith.andi %ge3A_206, %lt3A_209 : vector<16xi1>
        %and3A_211 = arith.constant 127 : i32
        %and3A_212 = vector.broadcast %and3A_211 : i32 to vector<16xi32>
        %and3A_213 = arith.andi %sub3A_203, %and3A_212 : vector<16xi32>
        %add3A_214 = arith.constant 5120 : i32
        %add3A_215 = vector.broadcast %add3A_214 : i32 to vector<16xi32>
        %add3A_216 = arith.addi %add3A_215, %and3A_213 : vector<16xi32>
        %select_n3A_217 = arith.select %and3A_210, %sub3A_203, %add3A_216 : vector<16xi1>, vector<16xi32>
        %swap3A_218 = arith.index_cast %sub3A_197 : i32 to index
        %swap3A_219 = arith.constant 0 : index
        %swap3A_220 = tpu.vector_load %arg8[%swap3A_218, %swap3A_219] {strides = array<i32>} : memref<250x80xi32, #tpu.memory_space<vmem>>, vector<1x16xi32>,
        %swap3A_221 = vector.shape_cast %swap3A_220 : vector<1x16xi32> to vector<16xi32>
        %swap3A_222 = vector.shape_cast %select_n3A_217 : vector<16xi32> to vector<1x16xi32>
        tpu.vector_store %arg8[%swap3A_218, %swap3A_219], %swap3A_222 {strides = array<i32>} : memref<250x80xi32, #tpu.memory_space<vmem>>, vector<1x16xi32>,
        %get3A_223 = arith.index_cast %sub3A_197 : i32 to index
        %get3A_224 = arith.constant 16 : index
        %get3A_225 = tpu.vector_load %arg8[%get3A_223, %get3A_224] {strides = array<i32>} : memref<250x80xi32, #tpu.memory_space<vmem>>, vector<1x16xi32>,
        %get3A_226 = vector.shape_cast %get3A_225 : vector<1x16xi32> to vector<16xi32>
        %sub3A_227 = vector.broadcast %mul3A_4 : i32 to vector<16xi32>
        %sub3A_228 = arith.subi %get3A_226, %sub3A_227 : vector<16xi32>
        %ge3A_229 = arith.constant 0 : i32
        %ge3A_230 = vector.broadcast %ge3A_229 : i32 to vector<16xi32>
        %ge3A_231 = arith.cmpi sge, %sub3A_228, %ge3A_230 : vector<16xi32>
        %lt3A_232 = arith.constant 5120 : i32
        %lt3A_233 = vector.broadcast %lt3A_232 : i32 to vector<16xi32>
        %lt3A_234 = arith.cmpi slt, %sub3A_228, %lt3A_233 : vector<16xi32>
        %and3A_235 = arith.andi %ge3A_231, %lt3A_234 : vector<16xi1>
        %and3A_236 = arith.constant 127 : i32
        %and3A_237 = vector.broadcast %and3A_236 : i32 to vector<16xi32>
        %and3A_238 = arith.andi %sub3A_228, %and3A_237 : vector<16xi32>
        %add3A_239 = arith.constant 5120 : i32
        %add3A_240 = vector.broadcast %add3A_239 : i32 to vector<16xi32>
        %add3A_241 = arith.addi %add3A_240, %and3A_238 : vector<16xi32>
        %select_n3A_242 = arith.select %and3A_235, %sub3A_228, %add3A_241 : vector<16xi1>, vector<16xi32>
        %swap3A_243 = arith.index_cast %sub3A_197 : i32 to index
        %swap3A_244 = arith.constant 16 : index
        %swap3A_245 = tpu.vector_load %arg8[%swap3A_243, %swap3A_244] {strides = array<i32>} : memref<250x80xi32, #tpu.memory_space<vmem>>, vector<1x16xi32>,
        %swap3A_246 = vector.shape_cast %swap3A_245 : vector<1x16xi32> to vector<16xi32>
        %swap3A_247 = vector.shape_cast %select_n3A_242 : vector<16xi32> to vector<1x16xi32>
        tpu.vector_store %arg8[%swap3A_243, %swap3A_244], %swap3A_247 {strides = array<i32>} : memref<250x80xi32, #tpu.memory_space<vmem>>, vector<1x16xi32>,
        %get3A_248 = arith.index_cast %sub3A_197 : i32 to index
        %get3A_249 = arith.constant 32 : index
        %get3A_250 = tpu.vector_load %arg8[%get3A_248, %get3A_249] {strides = array<i32>} : memref<250x80xi32, #tpu.memory_space<vmem>>, vector<1x16xi32>,
        %get3A_251 = vector.shape_cast %get3A_250 : vector<1x16xi32> to vector<16xi32>
        %sub3A_252 = vector.broadcast %mul3A_4 : i32 to vector<16xi32>
        %sub3A_253 = arith.subi %get3A_251, %sub3A_252 : vector<16xi32>
        %ge3A_254 = arith.constant 0 : i32
        %ge3A_255 = vector.broadcast %ge3A_254 : i32 to vector<16xi32>
        %ge3A_256 = arith.cmpi sge, %sub3A_253, %ge3A_255 : vector<16xi32>
        %lt3A_257 = arith.constant 5120 : i32
        %lt3A_258 = vector.broadcast %lt3A_257 : i32 to vector<16xi32>
        %lt3A_259 = arith.cmpi slt, %sub3A_253, %lt3A_258 : vector<16xi32>
        %and3A_260 = arith.andi %ge3A_256, %lt3A_259 : vector<16xi1>
        %and3A_261 = arith.constant 127 : i32
        %and3A_262 = vector.broadcast %and3A_261 : i32 to vector<16xi32>
        %and3A_263 = arith.andi %sub3A_253, %and3A_262 : vector<16xi32>
        %add3A_264 = arith.constant 5120 : i32
        %add3A_265 = vector.broadcast %add3A_264 : i32 to vector<16xi32>
        %add3A_266 = arith.addi %add3A_265, %and3A_263 : vector<16xi32>
        %select_n3A_267 = arith.select %and3A_260, %sub3A_253, %add3A_266 : vector<16xi1>, vector<16xi32>
        %swap3A_268 = arith.index_cast %sub3A_197 : i32 to index
        %swap3A_269 = arith.constant 32 : index
        %swap3A_270 = tpu.vector_load %arg8[%swap3A_268, %swap3A_269] {strides = array<i32>} : memref<250x80xi32, #tpu.memory_space<vmem>>, vector<1x16xi32>,
        %swap3A_271 = vector.shape_cast %swap3A_270 : vector<1x16xi32> to vector<16xi32>
        %swap3A_272 = vector.shape_cast %select_n3A_267 : vector<16xi32> to vector<1x16xi32>
        tpu.vector_store %arg8[%swap3A_268, %swap3A_269], %swap3A_272 {strides = array<i32>} : memref<250x80xi32, #tpu.memory_space<vmem>>, vector<1x16xi32>,
        %get3A_273 = arith.index_cast %sub3A_197 : i32 to index
        %get3A_274 = arith.constant 48 : index
        %get3A_275 = tpu.vector_load %arg8[%get3A_273, %get3A_274] {strides = array<i32>} : memref<250x80xi32, #tpu.memory_space<vmem>>, vector<1x16xi32>,
        %get3A_276 = vector.shape_cast %get3A_275 : vector<1x16xi32> to vector<16xi32>
        %sub3A_277 = vector.broadcast %mul3A_4 : i32 to vector<16xi32>
        %sub3A_278 = arith.subi %get3A_276, %sub3A_277 : vector<16xi32>
        %ge3A_279 = arith.constant 0 : i32
        %ge3A_280 = vector.broadcast %ge3A_279 : i32 to vector<16xi32>
        %ge3A_281 = arith.cmpi sge, %sub3A_278, %ge3A_280 : vector<16xi32>
        %lt3A_282 = arith.constant 5120 : i32
        %lt3A_283 = vector.broadcast %lt3A_282 : i32 to vector<16xi32>
        %lt3A_284 = arith.cmpi slt, %sub3A_278, %lt3A_283 : vector<16xi32>
        %and3A_285 = arith.andi %ge3A_281, %lt3A_284 : vector<16xi1>
        %and3A_286 = arith.constant 127 : i32
        %and3A_287 = vector.broadcast %and3A_286 : i32 to vector<16xi32>
        %and3A_288 = arith.andi %sub3A_278, %and3A_287 : vector<16xi32>
        %add3A_289 = arith.constant 5120 : i32
        %add3A_290 = vector.broadcast %add3A_289 : i32 to vector<16xi32>
        %add3A_291 = arith.addi %add3A_290, %and3A_288 : vector<16xi32>
        %select_n3A_292 = arith.select %and3A_285, %sub3A_278, %add3A_291 : vector<16xi1>, vector<16xi32>
        %swap3A_293 = arith.index_cast %sub3A_197 : i32 to index
        %swap3A_294 = arith.constant 48 : index
        %swap3A_295 = tpu.vector_load %arg8[%swap3A_293, %swap3A_294] {strides = array<i32>} : memref<250x80xi32, #tpu.memory_space<vmem>>, vector<1x16xi32>,
        %swap3A_296 = vector.shape_cast %swap3A_295 : vector<1x16xi32> to vector<16xi32>
        %swap3A_297 = vector.shape_cast %select_n3A_292 : vector<16xi32> to vector<1x16xi32>
        tpu.vector_store %arg8[%swap3A_293, %swap3A_294], %swap3A_297 {strides = array<i32>} : memref<250x80xi32, #tpu.memory_space<vmem>>, vector<1x16xi32>,
        %get3A_298 = arith.index_cast %sub3A_197 : i32 to index
        %get3A_299 = arith.constant 64 : index
        %get3A_300 = tpu.vector_load %arg8[%get3A_298, %get3A_299] {strides = array<i32>} : memref<250x80xi32, #tpu.memory_space<vmem>>, vector<1x16xi32>,
        %get3A_301 = vector.shape_cast %get3A_300 : vector<1x16xi32> to vector<16xi32>
        %sub3A_302 = vector.broadcast %mul3A_4 : i32 to vector<16xi32>
        %sub3A_303 = arith.subi %get3A_301, %sub3A_302 : vector<16xi32>
        %ge3A_304 = arith.constant 0 : i32
        %ge3A_305 = vector.broadcast %ge3A_304 : i32 to vector<16xi32>
        %ge3A_306 = arith.cmpi sge, %sub3A_303, %ge3A_305 : vector<16xi32>
        %lt3A_307 = arith.constant 5120 : i32
        %lt3A_308 = vector.broadcast %lt3A_307 : i32 to vector<16xi32>
        %lt3A_309 = arith.cmpi slt, %sub3A_303, %lt3A_308 : vector<16xi32>
        %and3A_310 = arith.andi %ge3A_306, %lt3A_309 : vector<16xi1>
        %and3A_311 = arith.constant 127 : i32
        %and3A_312 = vector.broadcast %and3A_311 : i32 to vector<16xi32>
        %and3A_313 = arith.andi %sub3A_303, %and3A_312 : vector<16xi32>
        %add3A_314 = arith.constant 5120 : i32
        %add3A_315 = vector.broadcast %add3A_314 : i32 to vector<16xi32>
        %add3A_316 = arith.addi %add3A_315, %and3A_313 : vector<16xi32>
        %select_n3A_317 = arith.select %and3A_310, %sub3A_303, %add3A_316 : vector<16xi1>, vector<16xi32>
        %swap3A_318 = arith.index_cast %sub3A_197 : i32 to index
        %swap3A_319 = arith.constant 64 : index
        %swap3A_320 = tpu.vector_load %arg8[%swap3A_318, %swap3A_319] {strides = array<i32>} : memref<250x80xi32, #tpu.memory_space<vmem>>, vector<1x16xi32>,
        %swap3A_321 = vector.shape_cast %swap3A_320 : vector<1x16xi32> to vector<16xi32>
        %swap3A_322 = vector.shape_cast %select_n3A_317 : vector<16xi32> to vector<1x16xi32>
        tpu.vector_store %arg8[%swap3A_318, %swap3A_319], %swap3A_322 {strides = array<i32>} : memref<250x80xi32, #tpu.memory_space<vmem>>, vector<1x16xi32>,
      } else {
      }
      %dma_wait3A = arith.constant 0 : i32
      %dma_wait3A_160 = tpu.memref_slice %arg7[%add3A_152, %dma_wait3A] : memref<250x80xi32, #tpu.memory_space<vmem>> -> memref<1x80xi32, #tpu.memory_space<vmem>>
      %dma_wait3A_161 = tpu.memref_squeeze %dma_wait3A_160 : memref<1x80xi32, #tpu.memory_space<vmem>> -> memref<80xi32, #tpu.memory_space<vmem>>
      %dma_wait3A_162 = arith.constant 0 : i32
      %dma_wait3A_163 = arith.constant 0 : i32
      %dma_wait3A_164 = tpu.memref_slice %arg2[%dma_wait3A_162, %dma_wait3A_163] : memref<20000x128xf32, #tpu.memory_space<hbm>> -> memref<20000x128xf32, #tpu.memory_space<hbm>>
      tpu.wait_indirect_dma semaphore(%arg11 : memref<!tpu.dma_semaphore, #tpu.memory_space<semaphore_mem>>) src(%dma_wait3A_164 : memref<20000x128xf32, #tpu.memory_space<hbm>>) dst(%arg9 : memref<80x128xf32, #tpu.memory_space<vmem>>)
      "tpu.region"() ({
        %run_scoped3A = tpu.sem_alloc : memref<!tpu.dma_semaphore, #tpu.memory_space<semaphore_mem>>
        %dma_start3A_184 = arith.constant 0 : i32
        %dma_start3A_185 = tpu.memref_slice %arg8[%add3A_152, %dma_start3A_184] : memref<250x80xi32, #tpu.memory_space<vmem>> -> memref<1x80xi32, #tpu.memory_space<vmem>>
        %dma_start3A_186 = tpu.memref_squeeze %dma_start3A_185 : memref<1x80xi32, #tpu.memory_space<vmem>> -> memref<80xi32, #tpu.memory_space<vmem>>
        %dma_start3A_187 = arith.constant 0 : i32
        %dma_start3A_188 = arith.constant 0 : i32
        %dma_start3A_189 = tpu.memref_slice %arg13[%dma_start3A_187, %dma_start3A_188] : memref<5248x128xf32, #tpu.memory_space<vmem_shared>> -> memref<5248x128xf32, #tpu.memory_space<vmem_shared>>
        tpu.enqueue_indirect_dma source(%arg9 : memref<80x128xf32, #tpu.memory_space<vmem>>) target(%dma_start3A_189 : memref<5248x128xf32, #tpu.memory_space<vmem_shared>>) offsets(%dma_start3A_186 : memref<80xi32, #tpu.memory_space<vmem>>) semaphore(%run_scoped3A : memref<!tpu.dma_semaphore, #tpu.memory_space<semaphore_mem>>) {add = true}
        %dma_wait3A_190 = arith.constant 0 : i32
        %dma_wait3A_191 = tpu.memref_slice %arg8[%add3A_152, %dma_wait3A_190] : memref<250x80xi32, #tpu.memory_space<vmem>> -> memref<1x80xi32, #tpu.memory_space<vmem>>
        %dma_wait3A_192 = tpu.memref_squeeze %dma_wait3A_191 : memref<1x80xi32, #tpu.memory_space<vmem>> -> memref<80xi32, #tpu.memory_space<vmem>>
        %dma_wait3A_193 = arith.constant 0 : i32
        %dma_wait3A_194 = arith.constant 0 : i32
        %dma_wait3A_195 = tpu.memref_slice %arg13[%dma_wait3A_193, %dma_wait3A_194] : memref<5248x128xf32, #tpu.memory_space<vmem_shared>> -> memref<5248x128xf32, #tpu.memory_space<vmem_shared>>
        tpu.wait_indirect_dma semaphore(%run_scoped3A : memref<!tpu.dma_semaphore, #tpu.memory_space<semaphore_mem>>) src(%arg9 : memref<80x128xf32, #tpu.memory_space<vmem>>) dst(%dma_wait3A_195 : memref<5248x128xf32, #tpu.memory_space<vmem_shared>>)
        tpu.yield
      }) : () -> ()
      %mul3A_165 = arith.constant 2 : i32
      %mul3A_166 = arith.muli %mul3A_165, %scan3A_148 : i32
      %add3A_167 = arith.constant 1 : i32
      %add3A_168 = arith.addi %mul3A_166, %add3A_167 : i32
      %add3A_169 = arith.constant 2 : i32
      %add3A_170 = arith.addi %add3A_168, %add3A_169 : i32
      %sub3A_171 = arith.constant 1 : i32
      %sub3A_172 = arith.subi %add3A_170, %sub3A_171 : i32
      %lt3A_173 = arith.constant 250 : i32
      %lt3A_174 = arith.cmpi slt, %sub3A_172, %lt3A_173 : i32
      %convert_element_type3A_175 = arith.extui %lt3A_174 : i1 to i32
      %cond3A_176 = arith.constant 0 : i32
      %cond3A_177 = arith.cmpi ne, %convert_element_type3A_175, %cond3A_176 : i32
      scf.if %cond3A_177 {
        %add3A_184 = arith.constant 2 : i32
        %add3A_185 = arith.addi %add3A_168, %add3A_184 : i32
        %sub3A_186 = arith.constant 1 : i32
        %sub3A_187 = arith.subi %add3A_185, %sub3A_186 : i32
        %dma_start3A_188 = arith.constant 0 : i32
        %dma_start3A_189 = tpu.memref_slice %arg7[%sub3A_187, %dma_start3A_188] : memref<250x80xi32, #tpu.memory_space<vmem>> -> memref<1x80xi32, #tpu.memory_space<vmem>>
        %dma_start3A_190 = tpu.memref_squeeze %dma_start3A_189 : memref<1x80xi32, #tpu.memory_space<vmem>> -> memref<80xi32, #tpu.memory_space<vmem>>
        %dma_start3A_191 = arith.constant 0 : i32
        %dma_start3A_192 = arith.constant 0 : i32
        %dma_start3A_193 = tpu.memref_slice %arg2[%dma_start3A_191, %dma_start3A_192] : memref<20000x128xf32, #tpu.memory_space<hbm>> -> memref<20000x128xf32, #tpu.memory_space<hbm>>
        tpu.enqueue_indirect_dma source(%dma_start3A_193 : memref<20000x128xf32, #tpu.memory_space<hbm>>) target(%arg9 : memref<80x128xf32, #tpu.memory_space<vmem>>) offsets(%dma_start3A_190 : memref<80xi32, #tpu.memory_space<vmem>>) semaphore(%arg11 : memref<!tpu.dma_semaphore, #tpu.memory_space<semaphore_mem>>)
        %add3A_194 = arith.constant 2 : i32
        %add3A_195 = arith.addi %add3A_168, %add3A_194 : i32
        %sub3A_196 = arith.constant 1 : i32
        %sub3A_197 = arith.subi %add3A_195, %sub3A_196 : i32
        %get3A_198 = arith.index_cast %sub3A_197 : i32 to index
        %get3A_199 = arith.constant 0 : index
        %get3A_200 = tpu.vector_load %arg8[%get3A_198, %get3A_199] {strides = array<i32>} : memref<250x80xi32, #tpu.memory_space<vmem>>, vector<1x16xi32>,
        %get3A_201 = vector.shape_cast %get3A_200 : vector<1x16xi32> to vector<16xi32>
        %sub3A_202 = vector.broadcast %mul3A_4 : i32 to vector<16xi32>
        %sub3A_203 = arith.subi %get3A_201, %sub3A_202 : vector<16xi32>
        %ge3A_204 = arith.constant 0 : i32
        %ge3A_205 = vector.broadcast %ge3A_204 : i32 to vector<16xi32>
        %ge3A_206 = arith.cmpi sge, %sub3A_203, %ge3A_205 : vector<16xi32>
        %lt3A_207 = arith.constant 5120 : i32
        %lt3A_208 = vector.broadcast %lt3A_207 : i32 to vector<16xi32>
        %lt3A_209 = arith.cmpi slt, %sub3A_203, %lt3A_208 : vector<16xi32>
        %and3A_210 = arith.andi %ge3A_206, %lt3A_209 : vector<16xi1>
        %and3A_211 = arith.constant 127 : i32
        %and3A_212 = vector.broadcast %and3A_211 : i32 to vector<16xi32>
        %and3A_213 = arith.andi %sub3A_203, %and3A_212 : vector<16xi32>
        %add3A_214 = arith.constant 5120 : i32
        %add3A_215 = vector.broadcast %add3A_214 : i32 to vector<16xi32>
        %add3A_216 = arith.addi %add3A_215, %and3A_213 : vector<16xi32>
        %select_n3A_217 = arith.select %and3A_210, %sub3A_203, %add3A_216 : vector<16xi1>, vector<16xi32>
        %swap3A_218 = arith.index_cast %sub3A_197 : i32 to index
        %swap3A_219 = arith.constant 0 : index
        %swap3A_220 = tpu.vector_load %arg8[%swap3A_218, %swap3A_219] {strides = array<i32>} : memref<250x80xi32, #tpu.memory_space<vmem>>, vector<1x16xi32>,
        %swap3A_221 = vector.shape_cast %swap3A_220 : vector<1x16xi32> to vector<16xi32>
        %swap3A_222 = vector.shape_cast %select_n3A_217 : vector<16xi32> to vector<1x16xi32>
        tpu.vector_store %arg8[%swap3A_218, %swap3A_219], %swap3A_222 {strides = array<i32>} : memref<250x80xi32, #tpu.memory_space<vmem>>, vector<1x16xi32>,
        %get3A_223 = arith.index_cast %sub3A_197 : i32 to index
        %get3A_224 = arith.constant 16 : index
        %get3A_225 = tpu.vector_load %arg8[%get3A_223, %get3A_224] {strides = array<i32>} : memref<250x80xi32, #tpu.memory_space<vmem>>, vector<1x16xi32>,
        %get3A_226 = vector.shape_cast %get3A_225 : vector<1x16xi32> to vector<16xi32>
        %sub3A_227 = vector.broadcast %mul3A_4 : i32 to vector<16xi32>
        %sub3A_228 = arith.subi %get3A_226, %sub3A_227 : vector<16xi32>
        %ge3A_229 = arith.constant 0 : i32
        %ge3A_230 = vector.broadcast %ge3A_229 : i32 to vector<16xi32>
        %ge3A_231 = arith.cmpi sge, %sub3A_228, %ge3A_230 : vector<16xi32>
        %lt3A_232 = arith.constant 5120 : i32
        %lt3A_233 = vector.broadcast %lt3A_232 : i32 to vector<16xi32>
        %lt3A_234 = arith.cmpi slt, %sub3A_228, %lt3A_233 : vector<16xi32>
        %and3A_235 = arith.andi %ge3A_231, %lt3A_234 : vector<16xi1>
        %and3A_236 = arith.constant 127 : i32
        %and3A_237 = vector.broadcast %and3A_236 : i32 to vector<16xi32>
        %and3A_238 = arith.andi %sub3A_228, %and3A_237 : vector<16xi32>
        %add3A_239 = arith.constant 5120 : i32
        %add3A_240 = vector.broadcast %add3A_239 : i32 to vector<16xi32>
        %add3A_241 = arith.addi %add3A_240, %and3A_238 : vector<16xi32>
        %select_n3A_242 = arith.select %and3A_235, %sub3A_228, %add3A_241 : vector<16xi1>, vector<16xi32>
        %swap3A_243 = arith.index_cast %sub3A_197 : i32 to index
        %swap3A_244 = arith.constant 16 : index
        %swap3A_245 = tpu.vector_load %arg8[%swap3A_243, %swap3A_244] {strides = array<i32>} : memref<250x80xi32, #tpu.memory_space<vmem>>, vector<1x16xi32>,
        %swap3A_246 = vector.shape_cast %swap3A_245 : vector<1x16xi32> to vector<16xi32>
        %swap3A_247 = vector.shape_cast %select_n3A_242 : vector<16xi32> to vector<1x16xi32>
        tpu.vector_store %arg8[%swap3A_243, %swap3A_244], %swap3A_247 {strides = array<i32>} : memref<250x80xi32, #tpu.memory_space<vmem>>, vector<1x16xi32>,
        %get3A_248 = arith.index_cast %sub3A_197 : i32 to index
        %get3A_249 = arith.constant 32 : index
        %get3A_250 = tpu.vector_load %arg8[%get3A_248, %get3A_249] {strides = array<i32>} : memref<250x80xi32, #tpu.memory_space<vmem>>, vector<1x16xi32>,
        %get3A_251 = vector.shape_cast %get3A_250 : vector<1x16xi32> to vector<16xi32>
        %sub3A_252 = vector.broadcast %mul3A_4 : i32 to vector<16xi32>
        %sub3A_253 = arith.subi %get3A_251, %sub3A_252 : vector<16xi32>
        %ge3A_254 = arith.constant 0 : i32
        %ge3A_255 = vector.broadcast %ge3A_254 : i32 to vector<16xi32>
        %ge3A_256 = arith.cmpi sge, %sub3A_253, %ge3A_255 : vector<16xi32>
        %lt3A_257 = arith.constant 5120 : i32
        %lt3A_258 = vector.broadcast %lt3A_257 : i32 to vector<16xi32>
        %lt3A_259 = arith.cmpi slt, %sub3A_253, %lt3A_258 : vector<16xi32>
        %and3A_260 = arith.andi %ge3A_256, %lt3A_259 : vector<16xi1>
        %and3A_261 = arith.constant 127 : i32
        %and3A_262 = vector.broadcast %and3A_261 : i32 to vector<16xi32>
        %and3A_263 = arith.andi %sub3A_253, %and3A_262 : vector<16xi32>
        %add3A_264 = arith.constant 5120 : i32
        %add3A_265 = vector.broadcast %add3A_264 : i32 to vector<16xi32>
        %add3A_266 = arith.addi %add3A_265, %and3A_263 : vector<16xi32>
        %select_n3A_267 = arith.select %and3A_260, %sub3A_253, %add3A_266 : vector<16xi1>, vector<16xi32>
        %swap3A_268 = arith.index_cast %sub3A_197 : i32 to index
        %swap3A_269 = arith.constant 32 : index
        %swap3A_270 = tpu.vector_load %arg8[%swap3A_268, %swap3A_269] {strides = array<i32>} : memref<250x80xi32, #tpu.memory_space<vmem>>, vector<1x16xi32>,
        %swap3A_271 = vector.shape_cast %swap3A_270 : vector<1x16xi32> to vector<16xi32>
        %swap3A_272 = vector.shape_cast %select_n3A_267 : vector<16xi32> to vector<1x16xi32>
        tpu.vector_store %arg8[%swap3A_268, %swap3A_269], %swap3A_272 {strides = array<i32>} : memref<250x80xi32, #tpu.memory_space<vmem>>, vector<1x16xi32>,
        %get3A_273 = arith.index_cast %sub3A_197 : i32 to index
        %get3A_274 = arith.constant 48 : index
        %get3A_275 = tpu.vector_load %arg8[%get3A_273, %get3A_274] {strides = array<i32>} : memref<250x80xi32, #tpu.memory_space<vmem>>, vector<1x16xi32>,
        %get3A_276 = vector.shape_cast %get3A_275 : vector<1x16xi32> to vector<16xi32>
        %sub3A_277 = vector.broadcast %mul3A_4 : i32 to vector<16xi32>
        %sub3A_278 = arith.subi %get3A_276, %sub3A_277 : vector<16xi32>
        %ge3A_279 = arith.constant 0 : i32
        %ge3A_280 = vector.broadcast %ge3A_279 : i32 to vector<16xi32>
        %ge3A_281 = arith.cmpi sge, %sub3A_278, %ge3A_280 : vector<16xi32>
        %lt3A_282 = arith.constant 5120 : i32
        %lt3A_283 = vector.broadcast %lt3A_282 : i32 to vector<16xi32>
        %lt3A_284 = arith.cmpi slt, %sub3A_278, %lt3A_283 : vector<16xi32>
        %and3A_285 = arith.andi %ge3A_281, %lt3A_284 : vector<16xi1>
        %and3A_286 = arith.constant 127 : i32
        %and3A_287 = vector.broadcast %and3A_286 : i32 to vector<16xi32>
        %and3A_288 = arith.andi %sub3A_278, %and3A_287 : vector<16xi32>
        %add3A_289 = arith.constant 5120 : i32
        %add3A_290 = vector.broadcast %add3A_289 : i32 to vector<16xi32>
        %add3A_291 = arith.addi %add3A_290, %and3A_288 : vector<16xi32>
        %select_n3A_292 = arith.select %and3A_285, %sub3A_278, %add3A_291 : vector<16xi1>, vector<16xi32>
        %swap3A_293 = arith.index_cast %sub3A_197 : i32 to index
        %swap3A_294 = arith.constant 48 : index
        %swap3A_295 = tpu.vector_load %arg8[%swap3A_293, %swap3A_294] {strides = array<i32>} : memref<250x80xi32, #tpu.memory_space<vmem>>, vector<1x16xi32>,
        %swap3A_296 = vector.shape_cast %swap3A_295 : vector<1x16xi32> to vector<16xi32>
        %swap3A_297 = vector.shape_cast %select_n3A_292 : vector<16xi32> to vector<1x16xi32>
        tpu.vector_store %arg8[%swap3A_293, %swap3A_294], %swap3A_297 {strides = array<i32>} : memref<250x80xi32, #tpu.memory_space<vmem>>, vector<1x16xi32>,
        %get3A_298 = arith.index_cast %sub3A_197 : i32 to index
        %get3A_299 = arith.constant 64 : index
        %get3A_300 = tpu.vector_load %arg8[%get3A_298, %get3A_299] {strides = array<i32>} : memref<250x80xi32, #tpu.memory_space<vmem>>, vector<1x16xi32>,
        %get3A_301 = vector.shape_cast %get3A_300 : vector<1x16xi32> to vector<16xi32>
        %sub3A_302 = vector.broadcast %mul3A_4 : i32 to vector<16xi32>
        %sub3A_303 = arith.subi %get3A_301, %sub3A_302 : vector<16xi32>
        %ge3A_304 = arith.constant 0 : i32
        %ge3A_305 = vector.broadcast %ge3A_304 : i32 to vector<16xi32>
        %ge3A_306 = arith.cmpi sge, %sub3A_303, %ge3A_305 : vector<16xi32>
        %lt3A_307 = arith.constant 5120 : i32
        %lt3A_308 = vector.broadcast %lt3A_307 : i32 to vector<16xi32>
        %lt3A_309 = arith.cmpi slt, %sub3A_303, %lt3A_308 : vector<16xi32>
        %and3A_310 = arith.andi %ge3A_306, %lt3A_309 : vector<16xi1>
        %and3A_311 = arith.constant 127 : i32
        %and3A_312 = vector.broadcast %and3A_311 : i32 to vector<16xi32>
        %and3A_313 = arith.andi %sub3A_303, %and3A_312 : vector<16xi32>
        %add3A_314 = arith.constant 5120 : i32
        %add3A_315 = vector.broadcast %add3A_314 : i32 to vector<16xi32>
        %add3A_316 = arith.addi %add3A_315, %and3A_313 : vector<16xi32>
        %select_n3A_317 = arith.select %and3A_310, %sub3A_303, %add3A_316 : vector<16xi1>, vector<16xi32>
        %swap3A_318 = arith.index_cast %sub3A_197 : i32 to index
        %swap3A_319 = arith.constant 64 : index
        %swap3A_320 = tpu.vector_load %arg8[%swap3A_318, %swap3A_319] {strides = array<i32>} : memref<250x80xi32, #tpu.memory_space<vmem>>, vector<1x16xi32>,
        %swap3A_321 = vector.shape_cast %swap3A_320 : vector<1x16xi32> to vector<16xi32>
        %swap3A_322 = vector.shape_cast %select_n3A_317 : vector<16xi32> to vector<1x16xi32>
        tpu.vector_store %arg8[%swap3A_318, %swap3A_319], %swap3A_322 {strides = array<i32>} : memref<250x80xi32, #tpu.memory_space<vmem>>, vector<1x16xi32>,
      } else {
      }
      %dma_wait3A_178 = arith.constant 0 : i32
      %dma_wait3A_179 = tpu.memref_slice %arg7[%add3A_168, %dma_wait3A_178] : memref<250x80xi32, #tpu.memory_space<vmem>> -> memref<1x80xi32, #tpu.memory_space<vmem>>
      %dma_wait3A_180 = tpu.memref_squeeze %dma_wait3A_179 : memref<1x80xi32, #tpu.memory_space<vmem>> -> memref<80xi32, #tpu.memory_space<vmem>>
      %dma_wait3A_181 = arith.constant 0 : i32
      %dma_wait3A_182 = arith.constant 0 : i32
      %dma_wait3A_183 = tpu.memref_slice %arg2[%dma_wait3A_181, %dma_wait3A_182] : memref<20000x128xf32, #tpu.memory_space<hbm>> -> memref<20000x128xf32, #tpu.memory_space<hbm>>
      tpu.wait_indirect_dma semaphore(%arg12 : memref<!tpu.dma_semaphore, #tpu.memory_space<semaphore_mem>>) src(%dma_wait3A_183 : memref<20000x128xf32, #tpu.memory_space<hbm>>) dst(%arg10 : memref<80x128xf32, #tpu.memory_space<vmem>>)
      "tpu.region"() ({
        %run_scoped3A = tpu.sem_alloc : memref<!tpu.dma_semaphore, #tpu.memory_space<semaphore_mem>>
        %dma_start3A_184 = arith.constant 0 : i32
        %dma_start3A_185 = tpu.memref_slice %arg8[%add3A_168, %dma_start3A_184] : memref<250x80xi32, #tpu.memory_space<vmem>> -> memref<1x80xi32, #tpu.memory_space<vmem>>
        %dma_start3A_186 = tpu.memref_squeeze %dma_start3A_185 : memref<1x80xi32, #tpu.memory_space<vmem>> -> memref<80xi32, #tpu.memory_space<vmem>>
        %dma_start3A_187 = arith.constant 0 : i32
        %dma_start3A_188 = arith.constant 0 : i32
        %dma_start3A_189 = tpu.memref_slice %arg13[%dma_start3A_187, %dma_start3A_188] : memref<5248x128xf32, #tpu.memory_space<vmem_shared>> -> memref<5248x128xf32, #tpu.memory_space<vmem_shared>>
        tpu.enqueue_indirect_dma source(%arg10 : memref<80x128xf32, #tpu.memory_space<vmem>>) target(%dma_start3A_189 : memref<5248x128xf32, #tpu.memory_space<vmem_shared>>) offsets(%dma_start3A_186 : memref<80xi32, #tpu.memory_space<vmem>>) semaphore(%run_scoped3A : memref<!tpu.dma_semaphore, #tpu.memory_space<semaphore_mem>>) {add = true}
        %dma_wait3A_190 = arith.constant 0 : i32
        %dma_wait3A_191 = tpu.memref_slice %arg8[%add3A_168, %dma_wait3A_190] : memref<250x80xi32, #tpu.memory_space<vmem>> -> memref<1x80xi32, #tpu.memory_space<vmem>>
        %dma_wait3A_192 = tpu.memref_squeeze %dma_wait3A_191 : memref<1x80xi32, #tpu.memory_space<vmem>> -> memref<80xi32, #tpu.memory_space<vmem>>
        %dma_wait3A_193 = arith.constant 0 : i32
        %dma_wait3A_194 = arith.constant 0 : i32
        %dma_wait3A_195 = tpu.memref_slice %arg13[%dma_wait3A_193, %dma_wait3A_194] : memref<5248x128xf32, #tpu.memory_space<vmem_shared>> -> memref<5248x128xf32, #tpu.memory_space<vmem_shared>>
        tpu.wait_indirect_dma semaphore(%run_scoped3A : memref<!tpu.dma_semaphore, #tpu.memory_space<semaphore_mem>>) src(%arg10 : memref<80x128xf32, #tpu.memory_space<vmem>>) dst(%dma_wait3A_195 : memref<5248x128xf32, #tpu.memory_space<vmem_shared>>)
        tpu.yield
      }) : () -> ()
    }
    %scan3A_142 = arith.constant 125 : i32
    %barrier3A_143 = arith.constant 0 : index
    tpu.barrier barrier_id(%barrier3A_143)
    %mul3A_144 = arith.constant 320 : i32
    %mul3A_145 = arith.muli %arg1, %mul3A_144 : i32
    %mul3A_146 = arith.constant 320 : i32
    %mul3A_147 = arith.muli %arg1, %mul3A_146 : i32
    "tpu.region"() ({
      %run_scoped3A = tpu.sem_alloc : memref<!tpu.dma_semaphore, #tpu.memory_space<semaphore_mem>>
      %dma_start3A_148 = arith.constant 0 : i32
      %dma_start3A_149 = tpu.memref_slice %arg6[%arg0, %mul3A_147, %dma_start3A_148] : memref<2x5120x128xf32, #tpu.memory_space<hbm>> -> memref<1x320x128xf32, #tpu.memory_space<hbm>>
      %dma_start3A_150 = tpu.memref_squeeze %dma_start3A_149 : memref<1x320x128xf32, #tpu.memory_space<hbm>> -> memref<320x128xf32, #tpu.memory_space<hbm>>
      %dma_start3A_151 = arith.constant 0 : i32
      %dma_start3A_152 = tpu.memref_slice %arg13[%mul3A_145, %dma_start3A_151] : memref<5248x128xf32, #tpu.memory_space<vmem_shared>> -> memref<320x128xf32, #tpu.memory_space<vmem_shared>>
      tpu.enqueue_dma source(%dma_start3A_152 : memref<320x128xf32, #tpu.memory_space<vmem_shared>>) target(%dma_start3A_150 : memref<320x128xf32, #tpu.memory_space<hbm>>) target_semaphore(%run_scoped3A : memref<!tpu.dma_semaphore, #tpu.memory_space<semaphore_mem>>)
      %dma_wait3A = arith.constant 0 : i32
      %dma_wait3A_153 = tpu.memref_slice %arg6[%arg0, %mul3A_147, %dma_wait3A] : memref<2x5120x128xf32, #tpu.memory_space<hbm>> -> memref<1x320x128xf32, #tpu.memory_space<hbm>>
      %dma_wait3A_154 = tpu.memref_squeeze %dma_wait3A_153 : memref<1x320x128xf32, #tpu.memory_space<hbm>> -> memref<320x128xf32, #tpu.memory_space<hbm>>
      %dma_wait3A_155 = arith.constant 0 : i32
      %dma_wait3A_156 = tpu.memref_slice %arg13[%mul3A_145, %dma_wait3A_155] : memref<5248x128xf32, #tpu.memory_space<vmem_shared>> -> memref<320x128xf32, #tpu.memory_space<vmem_shared>>
      tpu.wait_dma2 semaphore(%run_scoped3A : memref<!tpu.dma_semaphore, #tpu.memory_space<semaphore_mem>>) src(%dma_wait3A_156 : memref<320x128xf32, #tpu.memory_space<vmem_shared>>) dst(%dma_wait3A_154 : memref<320x128xf32, #tpu.memory_space<hbm>>)
      tpu.yield
    }) : () -> ()
    return
  }
}

module attributes {stable_mosaic.version = 14 : i64} {
  func.func @_pre_body(%arg0: i32, %arg1: i32, %arg2: memref<2000x128xf32, #tpu.memory_space<vmem>>, %arg3: memref<128x128xf32, #tpu.memory_space<vmem>>, %arg4: memref<1x128xf32, #tpu.memory_space<vmem>>, %arg5: memref<1x1x128xf32, #tpu.memory_space<vmem>>, %arg6: memref<40x800xi32, #tpu.memory_space<vmem>>, %arg7: memref<40x800xi32, #tpu.memory_space<vmem>>, %arg8: memref<2000x128xf32, #tpu.memory_space<vmem>>, %arg9: memref<40x800xi32, #tpu.memory_space<vmem>>) attributes {dimension_semantics = [#tpu.dimension_semantics<arbitrary>, #tpu.dimension_semantics<arbitrary>], iteration_bounds = array<i64: 2, 5>, scalar_prefetch = 0 : i64, scratch_operands = 0 : i64, tpu.core_type = #tpu.core_type<tc>, window_params = [{transform_indices = @transform_0, window_bounds = array<i64: 2000, 128>}, {pipeline_mode = #tpu.pipeline_mode<synchronous>, transform_indices = @transform_1, window_bounds = array<i64: 128, 128>}, {pipeline_mode = #tpu.pipeline_mode<synchronous>, transform_indices = @transform_2, window_bounds = array<i64: 1, 128>}, {transform_indices = @transform_3, window_bounds = array<i64: 1, 1, 128>}, {transform_indices = @transform_4, window_bounds = array<i64: 40, 800>}, {transform_indices = @transform_5, window_bounds = array<i64: 40, 800>}, {transform_indices = @transform_6, window_bounds = array<i64: 2000, 128>}, {transform_indices = @transform_7, window_bounds = array<i64: 40, 800>}]} {
    %get3A = arith.constant 0 : index
    %get3A_0 = arith.constant 0 : index
    %get3A_1 = vector.load %arg2[%get3A, %get3A_0] : memref<2000x128xf32, #tpu.memory_space<vmem>>, vector<2000x128xf32>
    %get3A_2 = arith.constant 0 : index
    %get3A_3 = arith.constant 0 : index
    %get3A_4 = vector.load %arg3[%get3A_2, %get3A_3] : memref<128x128xf32, #tpu.memory_space<vmem>>, vector<128x128xf32>
    %dot_general3A = arith.constant dense<0.000000e+00> : vector<2000x128xf32>
    %dot_general3A_5 = tpu.matmul %get3A_1, %get3A_4, %dot_general3A {dimension_numbers = #tpu.dot_dimension_numbers<[1], [1], [0], [0], [0, 0, 1, 0], [], []>, transpose_lhs_hint = false} : vector<2000x128xf32>, vector<128x128xf32>, vector<2000x128xf32> -> vector<2000x128xf32>
    %get3A_6 = arith.constant 0 : index
    %get3A_7 = arith.constant 0 : index
    %get3A_8 = arith.constant 0 : index
    %get3A_9 = vector.load %arg5[%get3A_6, %get3A_7, %get3A_8] : memref<1x1x128xf32, #tpu.memory_space<vmem>>, vector<1x1x128xf32>
    %get3A_10 = vector.shape_cast %get3A_9 : vector<1x1x128xf32> to vector<1x128xf32>
    %get3A_11 = arith.constant 0 : index
    %get3A_12 = arith.constant 0 : index
    %get3A_13 = vector.load %arg4[%get3A_11, %get3A_12] : memref<1x128xf32, #tpu.memory_space<vmem>>, vector<1x128xf32>
    %add3A = vector.broadcast %get3A_13 : vector<1x128xf32> to vector<2000x128xf32>
    %add3A_14 = arith.addf %dot_general3A_5, %add3A : vector<2000x128xf32>
    %mul3A = vector.broadcast %get3A_10 : vector<1x128xf32> to vector<2000x128xf32>
    %mul3A_15 = arith.mulf %mul3A, %add3A_14 : vector<2000x128xf32>
    %swap3A = arith.constant 0 : index
    %swap3A_16 = arith.constant 0 : index
    %swap3A_17 = vector.load %arg8[%swap3A, %swap3A_16] : memref<2000x128xf32, #tpu.memory_space<vmem>>, vector<2000x128xf32>
    tpu.vector_store %arg8[%swap3A, %swap3A_16], %mul3A_15 {strides = array<i32>} : memref<2000x128xf32, #tpu.memory_space<vmem>>, vector<2000x128xf32>,
    %get3A_18 = arith.constant 0 : index
    %get3A_19 = arith.constant 0 : index
    %get3A_20 = vector.load %arg6[%get3A_18, %get3A_19] : memref<40x800xi32, #tpu.memory_space<vmem>>, vector<40x800xi32>
    %get3A_21 = arith.constant 0 : index
    %get3A_22 = arith.constant 0 : index
    %get3A_23 = vector.load %arg7[%get3A_21, %get3A_22] : memref<40x800xi32, #tpu.memory_space<vmem>>, vector<40x800xi32>
    %mul3A_24 = arith.constant 10000 : i32
    %mul3A_25 = vector.broadcast %mul3A_24 : i32 to vector<40x800xi32>
    %mul3A_26 = arith.muli %get3A_23, %mul3A_25 : vector<40x800xi32>
    %add3A_27 = arith.addi %get3A_20, %mul3A_26 : vector<40x800xi32>
    %swap3A_28 = arith.constant 0 : index
    %swap3A_29 = arith.constant 0 : index
    %swap3A_30 = vector.load %arg9[%swap3A_28, %swap3A_29] : memref<40x800xi32, #tpu.memory_space<vmem>>, vector<40x800xi32>
    tpu.vector_store %arg9[%swap3A_28, %swap3A_29], %add3A_27 {strides = array<i32>} : memref<40x800xi32, #tpu.memory_space<vmem>>, vector<40x800xi32>,
    return
  }
  func.func @transform_0(%arg0: i32, %arg1: i32) -> (i32, i32) {
    %c0_i32 = arith.constant 0 : i32
    %c0_i32_0 = arith.constant 0 : i32
    return %arg1, %c0_i32 : i32, i32
  }
  func.func @transform_1(%arg0: i32, %arg1: i32) -> (i32, i32) {
    %c0_i32 = arith.constant 0 : i32
    %c0_i32_0 = arith.constant 0 : i32
    %c0_i32_1 = arith.constant 0 : i32
    return %c0_i32, %c0_i32_0 : i32, i32
  }
  func.func @transform_2(%arg0: i32, %arg1: i32) -> (i32, i32) {
    %c0_i32 = arith.constant 0 : i32
    %c0_i32_0 = arith.constant 0 : i32
    %c0_i32_1 = arith.constant 0 : i32
    return %c0_i32, %c0_i32_0 : i32, i32
  }
  func.func @transform_3(%arg0: i32, %arg1: i32) -> (i32, i32, i32) {
    %c0_i32 = arith.constant 0 : i32
    %c0_i32_0 = arith.constant 0 : i32
    %c0_i32_1 = arith.constant 0 : i32
    return %arg0, %c0_i32, %c0_i32_0 : i32, i32, i32
  }
  func.func @transform_4(%arg0: i32, %arg1: i32) -> (i32, i32) {
    %mul3A = arith.constant 5 : i32
    %mul3A_0 = arith.muli %arg0, %mul3A : i32
    %add3A = arith.addi %mul3A_0, %arg1 : i32
    %c0_i32 = arith.constant 0 : i32
    %c0_i32_1 = arith.constant 0 : i32
    return %add3A, %c0_i32 : i32, i32
  }
  func.func @transform_5(%arg0: i32, %arg1: i32) -> (i32, i32) {
    %mul3A = arith.constant 5 : i32
    %mul3A_0 = arith.muli %arg0, %mul3A : i32
    %add3A = arith.addi %mul3A_0, %arg1 : i32
    %c0_i32 = arith.constant 0 : i32
    %c0_i32_1 = arith.constant 0 : i32
    return %add3A, %c0_i32 : i32, i32
  }
  func.func @transform_6(%arg0: i32, %arg1: i32) -> (i32, i32) {
    %mul3A = arith.constant 5 : i32
    %mul3A_0 = arith.muli %arg0, %mul3A : i32
    %add3A = arith.addi %mul3A_0, %arg1 : i32
    %c0_i32 = arith.constant 0 : i32
    %c0_i32_1 = arith.constant 0 : i32
    return %add3A, %c0_i32 : i32, i32
  }
  func.func @transform_7(%arg0: i32, %arg1: i32) -> (i32, i32) {
    %mul3A = arith.constant 5 : i32
    %mul3A_0 = arith.muli %arg0, %mul3A : i32
    %add3A = arith.addi %mul3A_0, %arg1 : i32
    %c0_i32 = arith.constant 0 : i32
    %c0_i32_1 = arith.constant 0 : i32
    return %add3A, %c0_i32 : i32, i32
  }
}

module attributes {stable_mosaic.version = 14 : i64} {
  func.func @_fin_body(%arg0: i32, %arg1: memref<2000x128xf32, #tpu.memory_space<vmem>>, %arg2: memref<2000x128xf32, #tpu.memory_space<vmem>>, %arg3: memref<2000x128xf32, #tpu.memory_space<vmem>>) attributes {dimension_semantics = [#tpu.dimension_semantics<arbitrary>], iteration_bounds = array<i64: 5>, scalar_prefetch = 0 : i64, scratch_operands = 0 : i64, tpu.core_type = #tpu.core_type<tc>, window_params = [{transform_indices = @transform_0, window_bounds = array<i64: 2000, 128>}, {transform_indices = @transform_1, window_bounds = array<i64: 2000, 128>}, {transform_indices = @transform_2, window_bounds = array<i64: 2000, 128>}]} {
    %get3A = arith.constant 0 : index
    %get3A_0 = arith.constant 0 : index
    %get3A_1 = vector.load %arg2[%get3A, %get3A_0] : memref<2000x128xf32, #tpu.memory_space<vmem>>, vector<2000x128xf32>
    %get3A_2 = arith.constant 0 : index
    %get3A_3 = arith.constant 0 : index
    %get3A_4 = vector.load %arg1[%get3A_2, %get3A_3] : memref<2000x128xf32, #tpu.memory_space<vmem>>, vector<2000x128xf32>
    %max3A = arith.constant 0.000000e+00 : f32
    %max3A_5 = vector.broadcast %max3A : f32 to vector<2000x128xf32>
    %max3A_6 = arith.maximumf %get3A_4, %max3A_5 : vector<2000x128xf32>
    %add3A = arith.addf %get3A_1, %max3A_6 : vector<2000x128xf32>
    %swap3A = arith.constant 0 : index
    %swap3A_7 = arith.constant 0 : index
    %swap3A_8 = vector.load %arg3[%swap3A, %swap3A_7] : memref<2000x128xf32, #tpu.memory_space<vmem>>, vector<2000x128xf32>
    tpu.vector_store %arg3[%swap3A, %swap3A_7], %add3A {strides = array<i32>} : memref<2000x128xf32, #tpu.memory_space<vmem>>, vector<2000x128xf32>,
    return
  }
  func.func @transform_0(%arg0: i32) -> (i32, i32) {
    %c0_i32 = arith.constant 0 : i32
    %c0_i32_0 = arith.constant 0 : i32
    return %arg0, %c0_i32 : i32, i32
  }
  func.func @transform_1(%arg0: i32) -> (i32, i32) {
    %c0_i32 = arith.constant 0 : i32
    %c0_i32_0 = arith.constant 0 : i32
    return %arg0, %c0_i32 : i32, i32
  }
  func.func @transform_2(%arg0: i32) -> (i32, i32) {
    %c0_i32 = arith.constant 0 : i32
    %c0_i32_0 = arith.constant 0 : i32
    return %arg0, %c0_i32 : i32, i32
  }
}

</mosaic_0001>

<sc_bundles>
// kernel: kernel.5.cloned.1.call-start
scs
__scs_entry_jumppad:
0x0: {  	(pc) =	sbr.rel $0x88, $3  }
0x1: {  	(tag) =	ssettag $0x0;
	lr =	simm.s32 $0x1  }
0x2: {  	[smem:$0x3F9B] =	sst lr;
	_ =	strace $0xD0000000  }
0x3: {  	_ = 	snop  }
0x4: {  	_ = 	snop  }
0x5: {  	_ = 	snop  }
0x6: {  	_ = 	snop  }
0x7: {  	_ = 	snop  }
__scs_overlays_trampoline_lowered:
0x8: {  	[smem:$0x3FAA] =	sst s0  }
0x9: {  	[smem:$0x3FAB] =	sst s1  }
0xa: {  	[smem:$0x3FAC] =	sst s2  }
0xb: {  	[smem:$0x3FAD] =	sst s3  }
0xc: {  	[smem:$0x3FAE] =	sst s4  }
0xd: {  	[smem:$0x3FAF] =	sst s5  }
0xe: {  	[smem:$0x3FB0] =	sst s6  }
0xf: {  	[smem:$0x3FB1] =	sst s7  }
0x10: {  	[smem:$0x3FB2] =	sst s8  }
0x11: {  	[smem:$0x3FB3] =	sst s9;
	s0 =	simm.s32 @!p0 $0x0  }
0x12: {  	s1 =	sld [smem:$0x3F99];
	s0 =	simm.s32 @p0 $0x1  }
0x13: {  	[smem:$0x3FB4] =	sst s0;
	s0 =	simm.s32 @!p1 $0x0  }
0x14: {  	s2 =	sld [smem:$0x3F98];
	s0 =	simm.s32 @p1 $0x1  }
0x15: {  	[smem:$0x3FB5] =	sst s0;
	s0 =	simm.s32 @!p2 $0x0  }
0x16: {  	s3 =	sld [smem:$0x3FDB];
	s0 =	simm.s32 @p2 $0x1  }
0x17: {  	s4 =	simm.s32 $0x1BF5;
	[smem:$0x3FB7] =	sst s0  }
0x18: {  	s0 =	sld [smem:$0x3F9A];
	_ =	swait.ge [sflag:s4], $0x0  }
0x19: {  	s7 =	sld [smem:$0x3F9B]  }
0x1a: {  	s8 =	sadd.s32 $0xFFFFE003, lr  }
0x1b: {  	s9 =	sadd.s32 $0xFFFFFEF7, lr;
	s5 =	simm.s32 $0xFFFFFFFF;
	p2 =	slt.u32 s8, $0xFFFFF086  }
0x1c: {  	p1 =	slt.u32 s9, $0xF7A;
	s5 =	simm.s32 @!p2 $0x0  }
0x1d: {  	s5 =	simm.s32 @p1 $0x1;
	p0 =	seq.s32 s7, s2  }
0x1e: {  	s7 =	smul.u32 @!p0 $0xF7A, s2;
	p2 =	seq.s32 @!p0 s5, $0x0  }
0x1f: {  	s9 =	smul.u32 $0xF7A, s1;
	s8 =	simm.s32 @!p0 $0x1BF5;
	p2 =	por !p2, p0  }
0x20: {  	[sflag:s8] =	ssyncset.s32 @!p0 $0xFFFFF086;
	s6 =	sadd.s32 @!p0 s3, s7;
	s7 =	simm.s32 @!p0 $0x108  }
0x21: {  	s3 =	sadd.s32 s3, s9;
	s6 =	sadd.s32 @!p0 $0x88, s6;
	s7 =	simm.s32 @p2 $0x1082  }
0x22: {  	[simem:s7], [sflag:s8] =	dma.local @!p0 [hbm:s6], $0xF7A  }
0x23: {  	s9 =	sor.u32 $0xD0000000, s2;
	s6 =	simm.s32 $0x108;
	_ =	swait.ge @!p0 [sflag:s8], $0x0  }
0x24: {  	s3 =	sadd.s32 $0x88, s3;
	s6 =	simm.s32 @!p1 $0x1082;
	[sflag:s4] =	ssyncset.s32 $0xFFFFF086  }
0x25: {  	[simem:s6], [sflag:s4] =	dma.local [hbm:s3], $0xF7A  }
0x26: {  	[smem:$0x3F9B] =	sst s1;
	(tag) =	ssettag s2;
	_ =	strace s9  }
0x27: {  	s1 =	sld [smem:$0x3FAB]  }
0x28: {  	s2 =	sld [smem:$0x3FAC]  }
0x29: {  	s4 =	sld [smem:$0x3FAE]  }
0x2a: {  	p0 =	seq.s32 s5, $0x0;
	s5 =	sld [smem:$0x3FAF]  }
0x2b: {  	s6 =	sld [smem:$0x3FB0]  }
0x2c: {  	s7 =	sld [smem:$0x3FB1]  }
0x2d: {  	s3 =	simm.s32 $0x108;
	s8 =	sld [smem:$0x3FB2]  }
0x2e: {  	s3 =	simm.s32 @!p0 $0x1082;
	s9 =	sld [smem:$0x3FB3]  }
0x2f: {  	lr =	sadd.s32 s0, s3;
	s0 =	sld [smem:$0x3FAA]  }
0x30: {  	s3 =	sld [smem:$0x3FAD]  }
0x31: {  	[smem:$0x3FB6] =	sst s10  }
0x32: {  	s10 =	sld [smem:$0x3FB4];
	_ =	sdelay $0x3  }
0x33: {  	p0 =	seq.s32 s10, $0x1;
	s10 =	sld [smem:$0x3FB6];
	_ =	sdelay $0x3  }
0x34: {  	[smem:$0x3FB6] =	sst s10  }
0x35: {  	s10 =	sld [smem:$0x3FB5];
	_ =	sdelay $0x3  }
0x36: {  	p1 =	seq.s32 s10, $0x1;
	s10 =	sld [smem:$0x3FB6];
	_ =	sdelay $0x3  }
0x37: {  	[smem:$0x3FB6] =	sst s10  }
0x38: {  	s10 =	sld [smem:$0x3FB7]  }
0x39: {  	_ = 	snop;
	(pc) =	sbr.ind lr, $3  }
0x3a: {  	_ = 	snop  }
0x3b: {  	_ = 	snop  }
0x3c: {  	p2 =	seq.s32 s10, $0x1;
	s10 =	sld [smem:$0x3FB6]  }
0x3d: {  	_ =	shalt  }
0x3e: {  	_ =	shalt  }
0x3f: {  	_ =	shalt  }
0x40: {  	_ =	shalt  }
0x41: {  	_ =	shalt  }
0x42: {  	_ =	shalt  }
0x43: {  	_ =	shalt  }
0x44: {  	_ =	shalt  }
0x45: {  	_ =	shalt  }
0x46: {  	_ =	shalt  }
0x47: {  	_ =	shalt  }
0x48: {  	_ =	shalt  }
0x49: {  	_ =	shalt  }
0x4a: {  	_ =	shalt  }
0x4b: {  	_ =	shalt  }
0x4c: {  	_ =	shalt  }
0x4d: {  	_ =	shalt  }
0x4e: {  	_ =	shalt  }
0x4f: {  	_ =	shalt  }
0x50: {  	_ =	shalt  }
0x51: {  	_ =	shalt  }
0x52: {  	_ =	shalt  }
0x53: {  	_ =	shalt  }
0x54: {  	_ =	shalt  }
0x55: {  	_ =	shalt  }
0x56: {  	_ =	shalt  }
0x57: {  	_ =	shalt  }
0x58: {  	_ =	shalt  }
0x59: {  	_ =	shalt  }
0x5a: {  	_ =	shalt  }
0x5b: {  	_ =	shalt  }
0x5c: {  	_ =	shalt  }
0x5d: {  	_ =	shalt  }
0x5e: {  	_ =	shalt  }
0x5f: {  	_ =	shalt  }
0x60: {  	_ =	shalt  }
0x61: {  	_ =	shalt  }
0x62: {  	_ =	shalt  }
0x63: {  	_ =	shalt  }
0x64: {  	_ =	shalt  }
0x65: {  	_ =	shalt  }
0x66: {  	_ =	shalt  }
0x67: {  	_ =	shalt  }
0x68: {  	_ =	shalt  }
0x69: {  	_ =	shalt  }
0x6a: {  	_ =	shalt  }
0x6b: {  	_ =	shalt  }
0x6c: {  	_ =	shalt  }
0x6d: {  	_ =	shalt  }
0x6e: {  	_ =	shalt  }
0x6f: {  	_ =	shalt  }
0x70: {  	_ =	shalt  }
0x71: {  	_ =	shalt  }
0x72: {  	_ =	shalt  }
0x73: {  	_ =	shalt  }
0x74: {  	_ =	shalt  }
0x75: {  	_ =	shalt  }
0x76: {  	_ =	shalt  }
0x77: {  	_ =	shalt  }
0x78: {  	_ =	shalt  }
0x79: {  	_ =	shalt  }
0x7a: {  	_ =	shalt  }
0x7b: {  	_ =	shalt  }
0x7c: {  	_ =	shalt  }
0x7d: {  	_ =	shalt  }
0x7e: {  	_ =	shalt  }
0x7f: {  	_ =	shalt  }
0x80: {  	_ =	shalt  }
0x81: {  	_ =	shalt  }
0x82: {  	_ =	shalt  }
0x83: {  	_ =	shalt  }
0x84: {  	_ =	shalt  }
0x85: {  	_ =	shalt  }
0x86: {  	_ =	shalt  }
0x87: {  	_ =	shalt  }
.Lfunc_end0:
.L_simem_size_0:
called_computation_lowered:
.L_overlay_start_0:
0x88: {  	s2 =	sld [smem:$0x3FD9]  }
0x89: {  	s3 =	sld [smem:$0x3FFE];
	_ =	sdelay $0x1  }
0x8a: {  	s1 =	srdreg.scid  }
0x8b: {  	s0 =	sand.u32 $0x1, s1  }
0x8c: {  	s17 =	sshll.u32 s0, $0xA;
	s2 =	sadd.s32 s3, s2  }
0x8d: {  	s2 =	sadd.s32 s2, s17  }
0x8e: {  	[smem:$0x3FC2] =	sst s2  }
0x8f: {  	_ = 	snop  }
0x90: {  	s2 =	sld [smem:$0x3FD0];
	(tm) =	ssettm $0x1  }
0x91: {  	s18 =	sld [smem:$0x3FFB];
	_ =	sdelay $0x3  }
0x92: {  	_ =	strace s18  }
0x93: {  	s3 =	sld [smem:$0x3FFC];
	_ =	sdelay $0x3  }
0x94: {  	_ =	strace s3  }
0x95: {  	s3 =	sld [smem:$0x3FFD];
	_ =	sdelay $0x3  }
0x96: {  	_ =	strace s3  }
0x97: {  	_ =	strace $0x8FFFFFFF  }
0x98: {  	s19 =	sld [smem:$0x3FDB];
	_ =	sdelay $0x1  }
0x99: {  	s4 =	simm.s32 $_scs_section_size  }
0x9a: {  	s5 =	simm.s32 $_size__tile_overlayer_lowered;
	s6 =	simm.s32 $_tile_overlayer_lowered  }
0x9b: {  	s22 =	simm.s32 $0x1BFF;
	s21 =	sshll.u32 s6, $0x1;
	s3 =	sadd.s32 s4, s19  }
0x9c: {  	s7 =	simm.s32 $0x0;
	s20 =	sshll.u32 s5, $0x1;
	s5 =	sadd.s32 s21, s3  }
0x9d: {  	[timem:s7], [sflag:s22] =	dma.local [hbm:s5], s20  }
0x9e: {  	_ =	swait.ge [sflag:s22], s20  }
0x9f: {  	s4 =	ssub.s32 $0x0, s20;
	[sflag:s22] =	ssyncset.done $0x0  }
0xa0: {  	[sflag:s22] =	ssyncadd.s32 s4;
	_ =	sdelay $0x1  }
0xa1: {  	s23 =	simm.s32 $0x1B8B  }
0xa2: {  	_ =	swait.ge [sflag:s23], $0x1  }
0xa3: {  	[sflag:s23] =	ssyncset.done $0x0  }
0xa4: {  	s25 =	simm.s32 $0x1B8E;
	s24 =	sld [smem:$0x3FFE];
	[sflag:s23] =	ssyncadd.s32 $0xFFFFFFFF  }
0xa5: {  	s26 =	simm.s32 $execute0_lowered;
	[smem:$0x3FD2] =	sst s25  }
0xa6: {  	s5 =	sshll.u32 s26, $0x1;
	_ =	strace $0x80000046;
	[dreg:$0x1] =	wrdreg $0xFFFFFFFF  }
0xa7: {  	s28 =	simm.s32 $_size_execute0_lowered;
	s3 =	sadd.s32 s3, s5;
	[dreg:$0x0] =	wrdreg $0x0  }
0xa8: {  	s5 =	sshll.u32 s28, $0x1;
	[dreg:$0x2] =	wrdreg s3  }
0xa9: {  	[dreg:$0x3] =	wrdreg s5  }
0xaa: {  	[dreg:$0x4] =	wrdreg $0xC0  }
0xab: {  	_ =	task [dreg:s7], $0x5FFFF  }
0xac: {  	[dreg:$0x1] =	wrdreg $0xFFFFFFFF  }
0xad: {  	[dreg:$0x0] =	wrdreg $0x60  }
0xae: {  	[dreg:$0x2] =	wrdreg s24  }
0xaf: {  	[dreg:$0x3] =	wrdreg s2  }
0xb0: {  	[dreg:$0x4] =	wrdreg $0x150000  }
0xb1: {  	[dreg:$0x5] =	wrdreg $0x9  }
0xb2: {  	_ =	task.clear_ibuf [dreg:s7], $0x6FFFF;
	_ =	strace $0x90000046  }
0xb3: {  	s29 =	simm.s32 $0x9;
	_ =	strace $0x80000048  }
0xb4: {  	_ =	swait.ge [sflag:s29], $0x1  }
0xb5: {  	[sflag:s29] =	ssyncadd.s32 $0xFFFFFFFF  }
0xb6: {  	_ =	strace $0x90000048  }
0xb7: {  	_ =	sfence  }
0xb8: {  	s30 =	sld [smem:$0x0];
	_ =	sdelay $0x2  }
0xb9: {  	s31 =	sshll.u32 s1, $0xD;
	s1 =	sshrl.u32 s1, $0x2  }
0xba: {  	s3 =	sand.u32 $0x4000, s31;
	s1 =	sadd.s32 s1, s30  }
0xbb: {  	s0 =	sor.u32 s3, s0;
	s1 =	sshll.u32 s1, $0x11  }
0xbc: {  	s0 =	sor.u32 s1, s0  }
0xbd: {  	s0 =	sadd.s32 $0x8F2B, s0  }
0xbe: {  	[sflag:s0] =	ssyncadd.remote.s32 $0x1  }
0xbf: {  	_ =	sfence.sel $0xFFFF  }
0xc0: {  	[dreg:$0x0] =	wrdreg $0xFFFFFFFF;
	(pc) =	sbr.abs _section_cstart, $3  }
0xc1: {  	[dreg:$0x1] =	wrdreg $0xFFFFFFFF  }
0xc2: {  	_ =	task.clear_ibuf [dreg:s7], $0x2FFFF;
	_ =	strace $0x9FFFFFFF  }
0xc3: {  	(tm) =	ssettm $0x7FFFFFFF  }
tec
execute0_lowered:
.L_overlay_start_1:
0x0: {  	(tag) =	ssettag $0x1  }
0x1: {  	s5 =	rddreg [dreg:$0x0]  }
0x2: {  	s6 =	rddreg [dreg:$0x1]  }
0x3: {  	s1 =	rddreg [dreg:$0x2];
	s2 =	srdreg.scid  }
0x4: {  	s0 =	rddreg [dreg:$0x3];
	s3 =	simm.s32 $0x0;
	s9 =	sand.u32 $0x1, s2  }
0x5: {  	s15 =	simm.s32 $0x10000;
	s2 =	stileid.u32;
	s7 =	smul.u32 $0xA0000, s9  }
0x6: {  	s16 =	simm.s32 $0x12800;
	s17 =	simm.s32 $0x1;
	s8 =	smul.u32 $0xA000, s2  }
0x7: {  	s20 =	simm.s32 $0x0;
	[smem:$0x7FF] =	sst s3;
	s26 =	smul.u32 $0x29000, s2  }
0x8: {  	s4 =	sadd.s32 $0x11200, s5;
	_ =	strace $0x80000047;
	s13 =	smul.u32 $0x1480, s2  }
0x9: {  	s10 =	sshll.u32 s2, $0xC;
	s11 =	ssub.s32 $0x2, s9;
	s30 =	smul.u32 $0x28000, s2  }
0xa: {  	s29 =	sshll.u32 s2, $0x6;
	s18 =	smul.u32 $0x1400, s9;
	s10 =	sadd.s32 s10, s5  }
0xb: {  	s12 =	sshrl.u32 s11, $0x1;
	s7 =	sadd.s32 s8, s7;
	s8 =	sshrl.u32 s26, $0x2  }
0xc: {  	s11 =	ssub.s32 s11, s12;
	s31 =	sshrl.u32 s30, $0x2;
	s12 =	simm.s32 $0x3  }
0xd: {  	v0 =	vmov s18;
	s18 =	simm.s32 $0x2;
	s7 =	sshrl.u32 s7, $0x3;
	s28 =	sadd.s32 s8, s1  }
0xe: {  	s8 =	sadd.s32 $0x1200, s10;
	s19 =	sadd.s32 s31, s1;
	s14 =	sadd.s32 s7, s5  }
0xf: {  	s5 =	sadd.s32 s6, s13;
	s6 =	sor.u32 $0x1C03, s29;
	s7 =	sadd.s32 $0x5F400, s10  }
0x10: {  	s10 =	smax.u32 s11, $0x1;
	s11 =	sshrl.u32 s28, $0x3;
	s13 =	simm.s32 $0x8000  }
0x11: {  	s19 =	sshrl.u32 s19, $0x3;
	s9 =	sadd.s32 $0x6F400, s14;
	s14 =	simm.s32 $0x50  }
.LBB2_1:
0x12: {  	[spmem:s11], [sflag:s6] =	dma.local [hbm:s5], $0x1480  }
0x13: {  	_ =	swait.ge [sflag:s12], $0x1480  }
0x14: {  	[sflag:s12] =	ssyncset.done $0x0  }
0x15: {  	[sflag:s12] =	ssyncadd.s32 $0xFFFFEB80  }
0x16: {  	[tilespmem:s3], [sflag:$0x3] =	stream.linear.gather [hbm4b:s7+s3], $0x7D00, $0x38;
	[tilespmem:$0x1F400] =	vst v63  }
0x17: {  	_ =	swait.ge [sflag:s12], $0x7D00  }
0x18: {  	[sflag:s12] =	ssyncset.done $0x0  }
0x19: {  	[sflag:s12] =	ssyncadd.s32 $0xFFFF8300  }
0x1a: {  	[tilespmem:s13], [sflag:$0x3] =	stream.linear.gather [hbm4b:s8+s3], $0x7D00, $0x38;
	[tilespmem:$0x1F400] =	vst v63  }
0x1b: {  	_ =	swait.ge [sflag:s12], $0x7D00  }
0x1c: {  	[sflag:s12] =	ssyncset.done $0x0  }
0x1d: {  	[sflag:s12] =	ssyncadd.s32 $0xFFFF8300  }
0x1e: {  	[bflag:$0x0] =	sbarrier.arrive $0xFFFF  }
0x1f: {  	[tilespmem:s15], [sflag:$0x1] =	stream.indirect.gather [hbm4b:s4+s14], $0x80, s3, s14, $0xb8;
	[tilespmem:$0x1F400] =	vst v63  }
0x20: {  	v1 =	vld [tilespmem:$0x8000]  }
0x21: {  	v2 =	vld [tilespmem:$0x8010];
	_ =	sdelay $0x2  }
0x22: {  	v3 =	vld [tilespmem:$0x8020]  }
0x23: {  	v5 =	vld [tilespmem:$0x8030]  }
0x24: {  	v4 =	vsub.s32 v1, v0;
	v1 =	vand.u32 $0x7F, v1;
	v6 =	vsub.s32 v2, v0  }
0x25: {  	v7 =	vld [tilespmem:$0x8040];
	v2 =	vand.u32 $0x7F, v2;
	vm0 =	vlt.u32 v4, $0x1400;
	v1 =	vor.u32 $0x1400, v1  }
0x26: {  	vm12 =	vlt.u32 v6, $0x1400;
	v2 =	vor.u32 $0x1400, v2;
	v1 =	vsel vm0, v4, v1  }
0x27: {  	v2 =	vsel vm12, v6, v2;
	v4 =	vsub.s32 v3, v0;
	v3 =	vand.u32 $0x7F, v3  }
0x28: {  	v6 =	vsub.s32 v5, v0;
	vm13 =	vlt.u32 v4, $0x1400;
	v3 =	vor.u32 $0x1400, v3  }
0x29: {  	[tilespmem:$0x8000] =	vst v1;
	vm14 =	vlt.u32 v6, $0x1400;
	v1 =	vsel vm13, v4, v3;
	v3 =	vand.u32 $0x7F, v5  }
0x2a: {  	[tilespmem:$0x8010] =	vst v2;
	v4 =	vand.u32 $0x7F, v7;
	v2 =	vor.u32 $0x1400, v3;
	v3 =	vsub.s32 v7, v0  }
0x2b: {  	[tilespmem:$0x8020] =	vst v1;
	v1 =	vsel vm14, v6, v2;
	vm15 =	vlt.u32 v3, $0x1400;
	v2 =	vor.u32 $0x1400, v4  }
0x2c: {  	[tilespmem:$0x8030] =	vst v1;
	v1 =	vsel vm15, v3, v2  }
0x2d: {  	s21 =	simm.s32 $0x0;
	s22 =	simm.s32 $0x80;
	[tilespmem:$0x8040] =	vst v1  }
0x2e: {  	[tilespmem:s16], [sflag:$0x2] =	stream.indirect.gather [hbm4b:s4+s14], $0x80, s22, s14, $0xb8;
	[tilespmem:$0x1F400] =	vst v63  }
0x2f: {  	v5 =	vld [tilespmem:s21+$0x80B0]  }
0x30: {  	v2 =	vld [tilespmem:s21+$0x80A0]  }
0x31: {  	v6 =	vld [tilespmem:s21+$0x8080]  }
0x32: {  	v7 =	vld [tilespmem:s21+$0x80C0];
	_ =	sdelay $0x1  }
0x33: {  	v3 =	vand.u32 $0x7F, v5  }
0x34: {  	v1 =	vsub.s32 v2, v0;
	v2 =	vand.u32 $0x7F, v2;
	v4 =	vor.u32 $0x1400, v3;
	v3 =	vld [tilespmem:s21+$0x8090]  }
0x35: {  	s23 =	simm.s32 $0x400;
	s22 =	simm.s32 $0x0;
	v8 =	vand.u32 $0x7F, v6;
	v5 =	vsub.s32 v5, v0;
	v2 =	vor.u32 $0x1400, v2  }
.LBB2_2:
0x36: {  	v6 =	vsub.s32 v6, v0;
	v9 =	vsub.s32 v7, v0;
	v7 =	vand.u32 $0x7F, v7;
	s24 =	smov.u32 s23;
	s23 =	sadd.s32 $0x400, s23  }
0x37: {  	p0 =	sne.s32 s23, $0x1F400;
	vm0 =	vlt.u32 v6, $0x1400;
	vm1 =	vlt.u32 v9, $0x1400;
	v7 =	vor.u32 $0x1400, v7  }
0x38: {  	v8 =	vor.u32 $0x1400, v8;
	vm2 =	vlt.u32 v5, $0x1400;
	v7 =	vsel vm1, v9, v7  }
0x39: {  	v4 =	vsel vm2, v5, v4;
	v6 =	vsel vm0, v6, v8;
	v8 =	vsub.s32 v3, v0;
	[tilespmem:s21+$0x80C0] =	vst v7  }
0x3a: {  	v3 =	vand.u32 $0x7F, v3;
	vm1 =	vlt.u32 v1, $0x1400;
	vm0 =	vlt.u32 v8, $0x1400;
	[tilespmem:s21+$0x80B0] =	vst v4  }
0x3b: {  	v3 =	vor.u32 $0x1400, v3;
	v1 =	vsel vm1, v1, v2;
	[tilespmem:s21+$0x8080] =	vst v6  }
0x3c: {  	v2 =	vsel vm0, v8, v3;
	[tilespmem:s21+$0x80A0] =	vst v1  }
0x3d: {  	[tilespmem:s21+$0x8090] =	vst v2  }
0x3e: {  	_ =	swait.ge [sflag:s17], $0x2800  }
0x3f: {  	[sflag:s17] =	ssyncset.done $0x0  }
0x40: {  	s25 =	sadd.s32 $0x8000, s21;
	[sflag:s17] =	ssyncadd.s32 $0xFFFFD800  }
0x41: {  	[spmem:s1] =	stream.indirect.scatter.add.f32 [tilespmem:s15], [sflag:$0x3], $0x80, s25, s14, $0xb8;
	[tilespmem:$0x1F400] =	vst v63  }
0x42: {  	p1 =	seq.s32 s22, $0x1F000;
	_ =	swait.ge [sflag:s12], $0x2800  }
0x43: {  	s25 =	sshra.s32 @!p1 s22, $0x2;
	s22 =	simm.s32 @!p1 $0x10000;
	[sflag:s12] =	ssyncset.done $0x0  }
0x44: {  	s28 =	simm.s32 @!p1 $0x50;
	s26 =	sadd.s32 @!p1 $0x100, s25;
	[sflag:s12] =	ssyncadd.s32 $0xFFFFD800  }
0x45: {  	[tilespmem:s22], [sflag:$0x1] =	stream.indirect.gather @!p1 [hbm4b:s4+s28], $0x80, s26, s28, $0xb8;
	[tilespmem:$0x1F400] =	vst v63  }
0x46: {  	s22 =	smov.u32 s24;
	v1 =	vld @!p1 [tilespmem:s25+$0x8100]  }
0x47: {  	v2 =	vld @!p1 [tilespmem:s25+$0x8110]  }
0x48: {  	v3 =	vld @!p1 [tilespmem:s25+$0x8120]  }
0x49: {  	v4 =	vld @!p1 [tilespmem:s25+$0x8130];
	_ =	sdelay $0x1  }
0x4a: {  	v5 =	vsub.s32 @!p1 v1, v0;
	v1 =	vand.u32 @!p1 $0x7F, v1;
	v6 =	vld @!p1 [tilespmem:s25+$0x8140]  }
0x4b: {  	vm0 =	vlt.u32 @!p1 v5, $0x1400;
	v7 =	vsub.s32 @!p1 v2, v0;
	v2 =	vand.u32 @!p1 $0x7F, v2  }
0x4c: {  	v2 =	vor.u32 @!p1 $0x1400, v2;
	v8 =	vsub.s32 @!p1 v3, v0;
	v3 =	vand.u32 @!p1 $0x7F, v3  }
0x4d: {  	vm1 =	vlt.u32 @!p1 v7, $0x1400;
	vm2 =	vlt.u32 @!p1 v8, $0x1400;
	v3 =	vor.u32 @!p1 $0x1400, v3  }
0x4e: {  	v2 =	vsel @!p1 vm1, v7, v2;
	v7 =	vand.u32 @!p1 $0x7F, v4;
	v3 =	vsel @!p1 vm2, v8, v3  }
0x4f: {  	[tilespmem:s25+$0x8120] =	vst @!p1 v3;
	v3 =	vsub.s32 @!p1 v4, v0;
	v4 =	vsub.s32 @!p1 v6, v0;
	v6 =	vand.u32 @!p1 $0x7F, v6  }
0x50: {  	[tilespmem:s25+$0x8110] =	vst @!p1 v2;
	vm1 =	vlt.u32 @!p1 v3, $0x1400;
	vm2 =	vlt.u32 @!p1 v4, $0x1400;
	v2 =	vor.u32 @!p1 $0x1400, v6  }
0x51: {  	v1 =	vor.u32 @!p1 $0x1400, v1;
	v6 =	vor.u32 @!p1 $0x1400, v7;
	v2 =	vsel @!p1 vm2, v4, v2  }
0x52: {  	v1 =	vsel @!p1 vm0, v5, v1;
	v3 =	vsel @!p1 vm1, v3, v6;
	[tilespmem:s25+$0x8140] =	vst @!p1 v2  }
0x53: {  	[tilespmem:s25+$0x8100] =	vst @!p1 v1  }
0x54: {  	[tilespmem:s25+$0x8130] =	vst @!p1 v3  }
0x55: {  	_ =	swait.ge [sflag:s18], $0x2800  }
0x56: {  	[sflag:s18] =	ssyncset.done $0x0  }
0x57: {  	s21 =	sadd.s32 $0x8080, s21;
	[sflag:s18] =	ssyncadd.s32 $0xFFFFD800  }
0x58: {  	[spmem:s1] =	stream.indirect.scatter.add.f32 [tilespmem:s16], [sflag:$0x3], $0x80, s21, s14, $0xb8;
	[tilespmem:$0x1F400] =	vst v63  }
0x59: {  	_ =	swait.ge [sflag:s12], $0x2800  }
0x5a: {  	s21 =	sshra.s32 s22, $0x2;
	[sflag:s12] =	ssyncset.done $0x0  }
0x5b: {  	s24 =	sadd.s32 $0x80, s21;
	[sflag:s12] =	ssyncadd.s32 $0xFFFFD800  }
0x5c: {  	[tilespmem:s16], [sflag:$0x2] =	stream.indirect.gather [hbm4b:s4+s14], $0x80, s24, s14, $0xb8;
	[tilespmem:$0x1F400] =	vst v63  }
0x5d: {  	v5 =	vld [tilespmem:s21+$0x80B0]  }
0x5e: {  	v2 =	vld [tilespmem:s21+$0x80A0]  }
0x5f: {  	v6 =	vld [tilespmem:s21+$0x8080]  }
.Ltmp0:
0x60: {  	v7 =	vld [tilespmem:s21+$0x80C0];
	(pc) =	sbr.rel @p0 .LBB2_2-.Ltmp0, $4  }
0x61: {  	_ = 	snop  }
0x62: {  	v3 =	vld [tilespmem:s21+$0x8090];
	v4 =	vand.u32 $0x7F, v5  }
0x63: {  	v1 =	vsub.s32 v2, v0;
	v2 =	vand.u32 $0x7F, v2;
	v4 =	vor.u32 $0x1400, v4  }
0x64: {  	v5 =	vsub.s32 v5, v0;
	v8 =	vand.u32 $0x7F, v6;
	v2 =	vor.u32 $0x1400, v2  }
0x65: {  	v6 =	vsub.s32 v6, v0;
	v9 =	vsub.s32 v7, v0  }
0x66: {  	v62 =	vand.u32 $0x7F, v7;
	v8 =	vor.u32 $0x1400, v8;
	vm2 =	vlt.u32 v5, $0x1400  }
0x67: {  	vm14 =	vlt.u32 v1, $0x1400;
	vm0 =	vlt.u32 v6, $0x1400;
	v4 =	vsel vm2, v5, v4  }
0x68: {  	vm1 =	vlt.u32 v9, $0x1400;
	v7 =	vor.u32 $0x1400, v62;
	v1 =	vsel vm14, v1, v2;
	[tilespmem:s21+$0x80B0] =	vst v4  }
0x69: {  	v7 =	vsel vm1, v9, v7;
	v63 =	vsub.s32 v3, v0;
	v3 =	vand.u32 $0x7F, v3;
	[tilespmem:s21+$0x80A0] =	vst v1  }
0x6a: {  	v6 =	vsel vm0, v6, v8;
	[tilespmem:s21+$0x80C0] =	vst v7;
	vm15 =	vlt.u32 v63, $0x1400;
	v3 =	vor.u32 $0x1400, v3  }
0x6b: {  	[tilespmem:s21+$0x8080] =	vst v6;
	v2 =	vsel vm15, v63, v3  }
0x6c: {  	[tilespmem:s21+$0x8090] =	vst v2  }
0x6d: {  	_ =	swait.ge [sflag:s17], $0x2800  }
0x6e: {  	[sflag:s17] =	ssyncset.done $0x0  }
0x6f: {  	s23 =	sadd.s32 $0x8000, s21;
	[sflag:s17] =	ssyncadd.s32 $0xFFFFD800  }
0x70: {  	[spmem:s1] =	stream.indirect.scatter.add.f32 [tilespmem:s15], [sflag:$0x3], $0x80, s23, s14, $0xb8;
	[tilespmem:$0x1F400] =	vst v63  }
0x71: {  	p0 =	seq.s32 s22, $0x1F000;
	_ =	swait.ge [sflag:s12], $0x2800  }
0x72: {  	s22 =	sshra.s32 @!p0 s22, $0x2;
	s25 =	simm.s32 @!p0 $0x50;
	[sflag:s12] =	ssyncset.done $0x0  }
0x73: {  	s24 =	sadd.s32 @!p0 $0x100, s22;
	s23 =	simm.s32 @!p0 $0x10000;
	[sflag:s12] =	ssyncadd.s32 $0xFFFFD800  }
0x74: {  	[tilespmem:s23], [sflag:$0x1] =	stream.indirect.gather @!p0 [hbm4b:s4+s25], $0x80, s24, s25, $0xb8;
	[tilespmem:$0x1F400] =	vst v63  }
0x75: {  	v1 =	vld @!p0 [tilespmem:s22+$0x8100]  }
0x76: {  	v2 =	vld @!p0 [tilespmem:s22+$0x8110]  }
0x77: {  	v3 =	vld @!p0 [tilespmem:s22+$0x8120];
	_ =	sdelay $0x2  }
0x78: {  	v4 =	vld @!p0 [tilespmem:s22+$0x8140]  }
0x79: {  	v5 =	vld @!p0 [tilespmem:s22+$0x8130];
	v6 =	vsub.s32 @!p0 v1, v0;
	v1 =	vand.u32 @!p0 $0x7F, v1;
	v7 =	vand.u32 @!p0 $0x7F, v2  }
0x7a: {  	v2 =	vsub.s32 @!p0 v2, v0;
	v8 =	vsub.s32 @!p0 v3, v0;
	v3 =	vand.u32 @!p0 $0x7F, v3  }
0x7b: {  	vm0 =	vlt.u32 @!p0 v6, $0x1400;
	v7 =	vor.u32 @!p0 $0x1400, v7;
	vm1 =	vlt.u32 @!p0 v2, $0x1400  }
0x7c: {  	vm2 =	vlt.u32 @!p0 v8, $0x1400;
	v3 =	vor.u32 @!p0 $0x1400, v3;
	v1 =	vor.u32 @!p0 $0x1400, v1  }
0x7d: {  	v2 =	vsel @!p0 vm1, v2, v7;
	v3 =	vsel @!p0 vm2, v8, v3;
	v7 =	vsub.s32 @!p0 v4, v0  }
0x7e: {  	v4 =	vand.u32 @!p0 $0x7F, v4;
	v8 =	vand.u32 @!p0 $0x7F, v5;
	v1 =	vsel @!p0 vm0, v6, v1;
	[tilespmem:s22+$0x8120] =	vst @!p0 v3  }
0x7f: {  	vm1 =	vlt.u32 @!p0 v7, $0x1400;
	v3 =	vor.u32 @!p0 $0x1400, v4;
	v4 =	vsub.s32 @!p0 v5, v0;
	[tilespmem:s22+$0x8110] =	vst @!p0 v2  }
0x80: {  	[tilespmem:s22+$0x8100] =	vst @!p0 v1;
	v2 =	vsel @!p0 vm1, v7, v3;
	vm1 =	vlt.u32 @!p0 v4, $0x1400;
	v3 =	vor.u32 @!p0 $0x1400, v8  }
0x81: {  	[tilespmem:s22+$0x8140] =	vst @!p0 v2;
	v2 =	vsel @!p0 vm1, v4, v3  }
0x82: {  	[tilespmem:s22+$0x8130] =	vst @!p0 v2  }
0x83: {  	_ =	swait.ge [sflag:s18], $0x2800  }
0x84: {  	[sflag:s18] =	ssyncset.done $0x0  }
0x85: {  	s31 =	sadd.s32 $0x8080, s21;
	[sflag:s18] =	ssyncadd.s32 $0xFFFFD800  }
0x86: {  	[spmem:s1] =	stream.indirect.scatter.add.f32 [tilespmem:s16], [sflag:$0x3], $0x80, s31, s14, $0xb8;
	[tilespmem:$0x1F400] =	vst v63  }
0x87: {  	_ =	swait.ge [sflag:s12], $0x2800  }
0x88: {  	s20 =	sadd.s32 $0x1, s20;
	[sflag:s12] =	ssyncset.done $0x0  }
0x89: {  	p0 =	sne.s32 s20, s10;
	[sflag:s12] =	ssyncadd.s32 $0xFFFFD800  }
.Ltmp1:
0x8a: {  	[bflag:$0x0] =	sbarrier.arrive $0xFFFF;
	(pc) =	sbr.rel @p0 .LBB2_1-.Ltmp1, $4  }
0x8b: {  	[hbm:s9], [sflag:s6] =	dma.local [spmem:s19], $0x1400  }
0x8c: {  	_ =	swait.ge [sflag:s12], $0x1400  }
0x8d: {  	[sflag:s12] =	ssyncset.done $0x0  }
0x8e: {  	[sflag:s12] =	ssyncadd.s32 $0xFFFFEC00  }
0x8f: {  	_ =	sfence.sel $0x180000  }
0x90: {  	[bflag:$0x0] =	sbarrier.arrive $0xFFFF  }
0x91: {  	p0 =	sne.s32 s2, $0x0;
	_ =	strace $0x90000047  }
0x92: {  	s0 =	sadd.s32 @!p0 $0x100000, s0;
	[bflag:$0x2] =	sbarrier.arrive $0xFFFF  }
0x93: {  	[sflag:s0] =	ssyncadd.tile.s32 @!p0 $0x1;
	_ =	shalt  }
.Lfunc_end2:
_tile_overlayer_lowered:
.L_overlay_start_2:
0x94: {  	(tag) =	ssettag $0x2  }
0x95: {  	s0 =	rddreg [dreg:$0x0];
	s2 =	stileid.u32  }
0x96: {  	s1 =	rddreg [dreg:$0x1];
	p0 =	sne.s32 s2, $0x0  }
0x97: {  	s3 =	rddreg [dreg:$0x2];
	[bflag:$0x3] =	sbarrier.arrive $0xFFFF;
	s2 =	simm.s32 @!p0 $0x1C03  }
0x98: {  	[timem:s3], [sflag:s2] =	dma.local @!p0 [hbm:s0], s1  }
0x99: {  	s0 =	simm.s32 @!p0 $0x3  }
0x9a: {  	_ =	swait.ge @!p0 [sflag:s0], s1  }
0x9b: {  	s1 =	ssub.s32 @!p0 $0x0, s1;
	[sflag:s0] =	ssyncset.done @!p0 $0x0  }
0x9c: {  	[sflag:s0] =	ssyncadd.s32 @!p0 s1  }
0x9d: {  	[bflag:$0x3] =	sbarrier.arrive $0xFFFF  }
0x9e: {  	_ =	shalt  }

</sc_bundles>
